<compile_context>
chip_gen: v7x
topology: tpu7x:2x2x1
jax: 0.10.2.dev20260603
libtpu: 0.0.44.dev20260713+nightly
codegen_flags: <defaults>
</compile_context>

<pallas_src>
import functools

import jax
import jax.numpy as jnp
from jax import lax
from jax.experimental import pallas as pl
from jax.experimental.pallas import tpu as pltpu
from jax.experimental.pallas import tpu_sc as plsc

_N_NODES = 100000
_D = 128
_B = 16384
_EPS = 1.0 / (float(_N_NODES) * float(_N_NODES))

_NC, _NS, _L = 2, 16, 16
_NW = _NC * _NS
_W = _B // _NW
_C = 128
_NCH = _W // _C

_R = 5000
_NB = _N_NODES // _R


def _sc_body(head, rel, tail, Hr, Hi, Tr, Ti, Rr, Ri, out,
             hidx, tidx, relv, ure, uim, vre, vim, sv, rrv, riv, sem):
    wid = lax.axis_index("s") * _NC + lax.axis_index("c")
    pltpu.sync_copy(Rr, rrv)
    pltpu.sync_copy(Ri, riv)
    nch16 = _D // _L
    r0r = [rrv[0, pl.ds(c * _L, _L)] for c in range(nch16)]
    r0i = [riv[0, pl.ds(c * _L, _L)] for c in range(nch16)]
    r1r = [rrv[1, pl.ds(c * _L, _L)] for c in range(nch16)]
    r1i = [riv[1, pl.ds(c * _L, _L)] for c in range(nch16)]
    zero = jnp.zeros((_L,), jnp.float32)
    iota = lax.iota(jnp.int32, _L)

    def chunk(ci, carry):
        base = pl.multiple_of(wid * _W + ci * _C, _C)
        pltpu.sync_copy(head.at[pl.ds(base, _C)], hidx)
        pltpu.sync_copy(tail.at[pl.ds(base, _C)], tidx)
        pltpu.sync_copy(rel.at[pl.ds(base, _C)], relv)
        c1 = pltpu.async_copy(Hr.at[hidx], ure, sem)
        c2 = pltpu.async_copy(Hi.at[hidx], uim, sem)
        c3 = pltpu.async_copy(Tr.at[tidx], vre, sem)
        c4 = pltpu.async_copy(Ti.at[tidx], vim, sem)
        c1.wait()
        c2.wait()
        c3.wait()
        c4.wait()

        def rbody(row, carry2):
            g0, g1 = carry2
            acc0 = zero
            acc1 = zero
            for c in range(nch16):
                a = ure[row, pl.ds(c * _L, _L)]
                b = uim[row, pl.ds(c * _L, _L)]
                f = vre[row, pl.ds(c * _L, _L)]
                e = vim[row, pl.ds(c * _L, _L)]
                pp = a * f + b * e
                qq = a * e - b * f
                acc0 = acc0 + pp * r0r[c] + qq * r0i[c]
                acc1 = acc1 + pp * r1r[c] + qq * r1i[c]
            lane = row % _L
            g0 = jnp.where(iota == lane, jnp.full((_L,), jnp.sum(acc0)), g0)
            g1 = jnp.where(iota == lane, jnp.full((_L,), jnp.sum(acc1)), g1)

            @pl.when(lane == _L - 1)
            def _flush():
                gbase = pl.multiple_of(row - (_L - 1), _L)
                rl = relv[pl.ds(gbase, _L)]
                sv[pl.ds(gbase, _L)] = jnp.where(rl == 0, g0, g1)

            done = lane == _L - 1
            g0 = jnp.where(done, zero, g0)
            g1 = jnp.where(done, zero, g1)
            return (g0, g1)

        lax.fori_loop(0, _C, rbody, (zero, zero), unroll=2)
        pltpu.sync_copy(sv, out.at[pl.ds(base, _C)])
        return carry

    lax.fori_loop(0, _NCH, chunk, 0)


@functools.lru_cache(maxsize=1)
def _sc_score_fn():
    return pl.kernel(
        _sc_body,
        out_type=jax.ShapeDtypeStruct((_B,), jnp.float32),
        mesh=plsc.VectorSubcoreMesh(core_axis_name="c", subcore_axis_name="s"),
        compiler_params=pltpu.CompilerParams(needs_layout_passes=False),
        scratch_types=[
            pltpu.VMEM((_C,), jnp.int32),
            pltpu.VMEM((_C,), jnp.int32),
            pltpu.VMEM((_C,), jnp.int32),
            pltpu.VMEM((_C, _D), jnp.float32),
            pltpu.VMEM((_C, _D), jnp.float32),
            pltpu.VMEM((_C, _D), jnp.float32),
            pltpu.VMEM((_C, _D), jnp.float32),
            pltpu.VMEM((_C,), jnp.float32),
            pltpu.VMEM((2, _D), jnp.float32),
            pltpu.VMEM((2, _D), jnp.float32),
            pltpu.SemaphoreType.DMA,
        ],
    )


def _gram_body(hr_ref, hi_ref, tr_ref, ti_ref, rr_ref, ri_ref, z_ref,
               acca, accb):
    i = pl.program_id(0)

    @pl.when(i == 0)
    def _init():
        acca[...] = jnp.zeros_like(acca)
        accb[...] = jnp.zeros_like(accb)

    a = jnp.concatenate([hr_ref[...], hi_ref[...]], axis=1).astype(jnp.bfloat16)
    b = jnp.concatenate([tr_ref[...], ti_ref[...]], axis=1).astype(jnp.bfloat16)

    def gram(x):
        return lax.dot_general(x, x, (((0,), (0,)), ((), ())),
                               preferred_element_type=jnp.float32)

    acca[...] += gram(a)
    accb[...] += gram(b)

    @pl.when(i == _NB - 1)
    def _finish():
        ga = acca[...]
        gb = accb[...]
        g1 = ga[:_D, :_D]
        g3 = ga[:_D, _D:]
        g3t = ga[_D:, :_D]
        g2 = ga[_D:, _D:]
        g4 = gb[:_D, :_D]
        g6 = gb[:_D, _D:]
        g5 = gb[_D:, _D:]
        m_rr = g1 * g4 + g2 * g5 + 2.0 * g3 * g6
        m_ii = g1 * g5 + g2 * g4 - 2.0 * g3t * g6
        m_ri = 2.0 * (g1 * g6 - g3 * g4)
        m_ir = 2.0 * (g3 * g5 - g2 * g6)
        rows = []
        for r in range(2):
            pr = rr_ref[r, :]
            pi = ri_ref[r, :]
            w_rr = pr[:, None] * pr[None, :]
            w_ii = pi[:, None] * pi[None, :]
            w_ri = pr[:, None] * pi[None, :]
            w_ir = pi[:, None] * pr[None, :]
            z = jnp.sum(w_rr * m_rr + w_ii * m_ii + w_ri * m_ri + w_ir * m_ir)
            rows.append(jnp.full((1, _D), jnp.log1p(z), jnp.float32))
        z_ref[...] = jnp.concatenate(rows, axis=0)


def _gram_z(Hr, Hi, Tr, Ti, Rr, Ri):
    tab = pl.BlockSpec((_R, _D), lambda i: (i, 0))
    rel = pl.BlockSpec((2, _D), lambda i: (0, 0))
    return pl.pallas_call(
        _gram_body,
        grid=(_NB,),
        in_specs=[tab, tab, tab, tab, rel, rel],
        out_specs=pl.BlockSpec((2, _D), lambda i: (0, 0)),
        out_shape=jax.ShapeDtypeStruct((2, _D), jnp.float32),
        scratch_shapes=[pltpu.VMEM((2 * _D, 2 * _D), jnp.float32),
                        pltpu.VMEM((2 * _D, 2 * _D), jnp.float32)],
    )(Hr, Hi, Tr, Ti, Rr, Ri)


def _combine_body(s_ref, rel_ref, z_ref, out_ref):
    s = s_ref[...]
    rel = rel_ref[...]
    lz = jnp.where(rel == 0, z_ref[0, 0], z_ref[1, 0])
    out_ref[...] = jnp.log(s * s + _EPS) - lz


def _combine(s2d, rel2d, z):
    return pl.pallas_call(
        _combine_body,
        out_shape=jax.ShapeDtypeStruct((_D, _B // _D), jnp.float32),
    )(s2d, rel2d, z)


def kernel(head, relation, tail, Hr, Hi, Tr, Ti, Rr, Ri):
    head = head.astype(jnp.int32)
    relation = relation.astype(jnp.int32)
    tail = tail.astype(jnp.int32)
    s = _sc_score_fn()(head, relation, tail, Hr, Hi, Tr, Ti, Rr, Ri)
    z = _gram_z(Hr, Hi, Tr, Ti, Rr, Ri)
    out = _combine(s.reshape(_D, _B // _D), relation.reshape(_D, _B // _D), z)
    return out.reshape(_B)

# --- scband reference (transcript-rebuilt; emitter-appended) ---
"""Pipeline reference for scband-compl-ex2-87540023427903 (READ-ONLY COPY).

The authoritative reference and input builder live on the scoring server;
editing this copy changes nothing except your own understanding.
"""

import jax, jax.numpy as jnp
import numpy as np

N_NODES = 100000
D = 128
N_REL = 2
BATCH = 16384
EPS = 1.0 / (float(N_NODES) * float(N_NODES))


def _init_param(key, shape, init_scale=0.01):
    loc = np.log(shape[-1]) / 3.0 + 0.5 * init_scale ** 2
    return jnp.exp(jax.random.normal(key, shape, dtype=jnp.float32) * init_scale - loc)


def setup_inputs(seed: int = 0):
    key = jax.random.key(seed)
    ks = jax.random.split(key, 9)
    head = jax.random.randint(ks[0], (BATCH,), 0, N_NODES)
    relation = jax.random.randint(ks[1], (BATCH,), 0, N_REL)
    tail = jax.random.randint(ks[2], (BATCH,), 0, N_NODES)
    Hr = _init_param(ks[3], (N_NODES, D))
    Hi = _init_param(ks[4], (N_NODES, D))
    Tr = _init_param(ks[5], (N_NODES, D))
    Ti = _init_param(ks[6], (N_NODES, D))
    Rr = _init_param(ks[7], (N_REL, D))
    Ri = _init_param(ks[8], (N_REL, D))
    return {"head": head, "relation": relation, "tail": tail,
            "Hr": Hr, "Hi": Hi, "Tr": Tr, "Ti": Ti, "Rr": Rr, "Ri": Ri}


def _triple_dot(x, y, z):
    return (x * y * z).sum(axis=-1)


def _partition_function(Hr, Hi, Tr, Ti, Pr, Pi):
    Sr, Si, Or, Oi = Hr, Hi, Tr, Ti
    SrSr = Sr.T @ Sr
    OrOr = Or.T @ Or
    SiSi = Si.T @ Si
    OiOi = Oi.T @ Oi
    SrSi = Sr.T @ Si
    OrOi = Or.T @ Oi
    SiSr = Si.T @ Sr
    OiOr = Oi.T @ Or
    A2 = (Pr @ (SrSr * OrOr) @ Pr.T).sum()
    B2 = (Pr @ (SiSi * OiOi) @ Pr.T).sum()
    C2 = (Pi @ (SrSr * OiOi) @ Pi.T).sum()
    D2 = (Pi @ (SiSi * OrOr) @ Pi.T).sum()
    AB = (Pr @ (SrSi * OrOi) @ Pr.T).sum()
    AC = (Pr @ (SrSr * OrOi) @ Pi.T).sum()
    AD = (Pr @ (SrSi * OrOr) @ Pi.T).sum()
    BC = (Pr @ (SiSr * OiOi) @ Pi.T).sum()
    BD = (Pr @ (SiSi * OiOr) @ Pi.T).sum()
    CD = (Pi @ (SrSi * OiOr) @ Pi.T).sum()
    return A2 + B2 + C2 + D2 + 2 * AB + 2 * AC + 2 * BC - 2 * AD - 2 * BD - 2 * CD


def reference(head, relation, tail, Hr, Hi, Tr, Ti, Rr, Ri):
    # Single node type, so all relations share the same embedding tables.
    # Partition function Z_r computed for every relation; per-triple score
    # gathered via embedding lookups (SparseCore-style gathers).
    Z = jnp.stack([
        _partition_function(Hr, Hi, Tr, Ti, Rr[r][None, :], Ri[r][None, :])
        for r in range(N_REL)
    ])
    u_re = jnp.take(Hr, head, axis=0)
    u_im = jnp.take(Hi, head, axis=0)
    v_re = jnp.take(Tr, tail, axis=0)
    v_im = jnp.take(Ti, tail, axis=0)
    r_re = jnp.take(Rr, relation, axis=0)
    r_im = jnp.take(Ri, relation, axis=0)
    phi = (_triple_dot(u_re, r_re, v_re)
           + _triple_dot(u_im, r_re, v_im)
           + _triple_dot(u_re, r_im, v_im)
           - _triple_dot(u_im, r_im, v_re)) ** 2
    log_prob = jnp.log(phi + EPS) - jnp.log1p(Z[relation])
    return log_prob

if __name__ == "__main__":
    import jax
    _d = setup_inputs()
    print(jax.jit(kernel)(*tuple(_d.values())))

</pallas_src>

<mosaic_0001>
#map = affine_map<(d0, d1) -> (0)>
#map1 = affine_map<(d0, d1) -> (0, 0)>
module attributes {stable_mosaic.version = 14 : i64} {
  func.func @_sc_body(%arg0: i32, %arg1: i32, %arg2: memref<16384xi32, #tpu.memory_space<hbm>>, %arg3: memref<16384xi32, #tpu.memory_space<hbm>>, %arg4: memref<16384xi32, #tpu.memory_space<hbm>>, %arg5: memref<100000x128xf32, #tpu.memory_space<hbm>>, %arg6: memref<100000x128xf32, #tpu.memory_space<hbm>>, %arg7: memref<100000x128xf32, #tpu.memory_space<hbm>>, %arg8: memref<100000x128xf32, #tpu.memory_space<hbm>>, %arg9: memref<2x128xf32, #tpu.memory_space<hbm>>, %arg10: memref<2x128xf32, #tpu.memory_space<hbm>>, %arg11: memref<16384xf32, #tpu.memory_space<hbm>>, %arg12: memref<128xi32, #tpu.memory_space<vmem>>, %arg13: memref<128xi32, #tpu.memory_space<vmem>>, %arg14: memref<128xi32, #tpu.memory_space<vmem>>, %arg15: memref<128x128xf32, #tpu.memory_space<vmem>>, %arg16: memref<128x128xf32, #tpu.memory_space<vmem>>, %arg17: memref<128x128xf32, #tpu.memory_space<vmem>>, %arg18: memref<128x128xf32, #tpu.memory_space<vmem>>, %arg19: memref<128xf32, #tpu.memory_space<vmem>>, %arg20: memref<2x128xf32, #tpu.memory_space<vmem>>, %arg21: memref<2x128xf32, #tpu.memory_space<vmem>>, %arg22: memref<!tpu.dma_semaphore, #tpu.memory_space<semaphore_mem>>) attributes {dimension_semantics = [#tpu.dimension_semantics<core_parallel>, #tpu.dimension_semantics<subcore_parallel>], iteration_bounds = array<i64: 2, 16>, scalar_prefetch = 0 : i64, scratch_operands = 11 : i64, tpu.core_type = #tpu.core_type<sc_vector_subcore>, window_params = [{transform_indices = #map}, {transform_indices = #map}, {transform_indices = #map}, {transform_indices = #map1}, {transform_indices = #map1}, {transform_indices = #map1}, {transform_indices = #map1}, {transform_indices = #map1}, {transform_indices = #map1}, {transform_indices = #map}]} {
    %mul3A = arith.constant 2 : i32
    %mul3A_0 = arith.muli %arg1, %mul3A : i32
    %add3A = arith.addi %mul3A_0, %arg0 : i32
    "tpu.region"() ({
      %run_scoped3A = tpu.sem_alloc : memref<!tpu.dma_semaphore, #tpu.memory_space<semaphore_mem>>
      tpu.enqueue_dma source(%arg9 : memref<2x128xf32, #tpu.memory_space<hbm>>) target(%arg20 : memref<2x128xf32, #tpu.memory_space<vmem>>) target_semaphore(%run_scoped3A : memref<!tpu.dma_semaphore, #tpu.memory_space<semaphore_mem>>)
      tpu.wait_dma2 semaphore(%run_scoped3A : memref<!tpu.dma_semaphore, #tpu.memory_space<semaphore_mem>>) src(%arg9 : memref<2x128xf32, #tpu.memory_space<hbm>>) dst(%arg20 : memref<2x128xf32, #tpu.memory_space<vmem>>)
      tpu.yield
    }) : () -> ()
    "tpu.region"() ({
      %run_scoped3A = tpu.sem_alloc : memref<!tpu.dma_semaphore, #tpu.memory_space<semaphore_mem>>
      tpu.enqueue_dma source(%arg10 : memref<2x128xf32, #tpu.memory_space<hbm>>) target(%arg21 : memref<2x128xf32, #tpu.memory_space<vmem>>) target_semaphore(%run_scoped3A : memref<!tpu.dma_semaphore, #tpu.memory_space<semaphore_mem>>)
      tpu.wait_dma2 semaphore(%run_scoped3A : memref<!tpu.dma_semaphore, #tpu.memory_space<semaphore_mem>>) src(%arg10 : memref<2x128xf32, #tpu.memory_space<hbm>>) dst(%arg21 : memref<2x128xf32, #tpu.memory_space<vmem>>)
      tpu.yield
    }) : () -> ()
    %get3A = arith.constant 0 : i32
    %get3A_1 = arith.index_cast %get3A : i32 to index
    %get3A_2 = arith.constant 0 : index
    %get3A_3 = tpu.vector_load %arg20[%get3A_1, %get3A_2] {strides = array<i32>} : memref<2x128xf32, #tpu.memory_space<vmem>>, vector<16xf32>,
    %get3A_4 = arith.constant 0 : i32
    %get3A_5 = arith.index_cast %get3A_4 : i32 to index
    %get3A_6 = arith.constant 16 : index
    %get3A_7 = tpu.vector_load %arg20[%get3A_5, %get3A_6] {strides = array<i32>} : memref<2x128xf32, #tpu.memory_space<vmem>>, vector<16xf32>,
    %get3A_8 = arith.constant 0 : i32
    %get3A_9 = arith.index_cast %get3A_8 : i32 to index
    %get3A_10 = arith.constant 32 : index
    %get3A_11 = tpu.vector_load %arg20[%get3A_9, %get3A_10] {strides = array<i32>} : memref<2x128xf32, #tpu.memory_space<vmem>>, vector<16xf32>,
    %get3A_12 = arith.constant 0 : i32
    %get3A_13 = arith.index_cast %get3A_12 : i32 to index
    %get3A_14 = arith.constant 48 : index
    %get3A_15 = tpu.vector_load %arg20[%get3A_13, %get3A_14] {strides = array<i32>} : memref<2x128xf32, #tpu.memory_space<vmem>>, vector<16xf32>,
    %get3A_16 = arith.constant 0 : i32
    %get3A_17 = arith.index_cast %get3A_16 : i32 to index
    %get3A_18 = arith.constant 64 : index
    %get3A_19 = tpu.vector_load %arg20[%get3A_17, %get3A_18] {strides = array<i32>} : memref<2x128xf32, #tpu.memory_space<vmem>>, vector<16xf32>,
    %get3A_20 = arith.constant 0 : i32
    %get3A_21 = arith.index_cast %get3A_20 : i32 to index
    %get3A_22 = arith.constant 80 : index
    %get3A_23 = tpu.vector_load %arg20[%get3A_21, %get3A_22] {strides = array<i32>} : memref<2x128xf32, #tpu.memory_space<vmem>>, vector<16xf32>,
    %get3A_24 = arith.constant 0 : i32
    %get3A_25 = arith.index_cast %get3A_24 : i32 to index
    %get3A_26 = arith.constant 96 : index
    %get3A_27 = tpu.vector_load %arg20[%get3A_25, %get3A_26] {strides = array<i32>} : memref<2x128xf32, #tpu.memory_space<vmem>>, vector<16xf32>,
    %get3A_28 = arith.constant 0 : i32
    %get3A_29 = arith.index_cast %get3A_28 : i32 to index
    %get3A_30 = arith.constant 112 : index
    %get3A_31 = tpu.vector_load %arg20[%get3A_29, %get3A_30] {strides = array<i32>} : memref<2x128xf32, #tpu.memory_space<vmem>>, vector<16xf32>,
    %get3A_32 = arith.constant 0 : i32
    %get3A_33 = arith.index_cast %get3A_32 : i32 to index
    %get3A_34 = arith.constant 0 : index
    %get3A_35 = tpu.vector_load %arg21[%get3A_33, %get3A_34] {strides = array<i32>} : memref<2x128xf32, #tpu.memory_space<vmem>>, vector<16xf32>,
    %get3A_36 = arith.constant 0 : i32
    %get3A_37 = arith.index_cast %get3A_36 : i32 to index
    %get3A_38 = arith.constant 16 : index
    %get3A_39 = tpu.vector_load %arg21[%get3A_37, %get3A_38] {strides = array<i32>} : memref<2x128xf32, #tpu.memory_space<vmem>>, vector<16xf32>,
    %get3A_40 = arith.constant 0 : i32
    %get3A_41 = arith.index_cast %get3A_40 : i32 to index
    %get3A_42 = arith.constant 32 : index
    %get3A_43 = tpu.vector_load %arg21[%get3A_41, %get3A_42] {strides = array<i32>} : memref<2x128xf32, #tpu.memory_space<vmem>>, vector<16xf32>,
    %get3A_44 = arith.constant 0 : i32
    %get3A_45 = arith.index_cast %get3A_44 : i32 to index
    %get3A_46 = arith.constant 48 : index
    %get3A_47 = tpu.vector_load %arg21[%get3A_45, %get3A_46] {strides = array<i32>} : memref<2x128xf32, #tpu.memory_space<vmem>>, vector<16xf32>,
    %get3A_48 = arith.constant 0 : i32
    %get3A_49 = arith.index_cast %get3A_48 : i32 to index
    %get3A_50 = arith.constant 64 : index
    %get3A_51 = tpu.vector_load %arg21[%get3A_49, %get3A_50] {strides = array<i32>} : memref<2x128xf32, #tpu.memory_space<vmem>>, vector<16xf32>,
    %get3A_52 = arith.constant 0 : i32
    %get3A_53 = arith.index_cast %get3A_52 : i32 to index
    %get3A_54 = arith.constant 80 : index
    %get3A_55 = tpu.vector_load %arg21[%get3A_53, %get3A_54] {strides = array<i32>} : memref<2x128xf32, #tpu.memory_space<vmem>>, vector<16xf32>,
    %get3A_56 = arith.constant 0 : i32
    %get3A_57 = arith.index_cast %get3A_56 : i32 to index
    %get3A_58 = arith.constant 96 : index
    %get3A_59 = tpu.vector_load %arg21[%get3A_57, %get3A_58] {strides = array<i32>} : memref<2x128xf32, #tpu.memory_space<vmem>>, vector<16xf32>,
    %get3A_60 = arith.constant 0 : i32
    %get3A_61 = arith.index_cast %get3A_60 : i32 to index
    %get3A_62 = arith.constant 112 : index
    %get3A_63 = tpu.vector_load %arg21[%get3A_61, %get3A_62] {strides = array<i32>} : memref<2x128xf32, #tpu.memory_space<vmem>>, vector<16xf32>,
    %get3A_64 = arith.constant 1 : i32
    %get3A_65 = arith.index_cast %get3A_64 : i32 to index
    %get3A_66 = arith.constant 0 : index
    %get3A_67 = tpu.vector_load %arg20[%get3A_65, %get3A_66] {strides = array<i32>} : memref<2x128xf32, #tpu.memory_space<vmem>>, vector<16xf32>,
    %get3A_68 = arith.constant 1 : i32
    %get3A_69 = arith.index_cast %get3A_68 : i32 to index
    %get3A_70 = arith.constant 16 : index
    %get3A_71 = tpu.vector_load %arg20[%get3A_69, %get3A_70] {strides = array<i32>} : memref<2x128xf32, #tpu.memory_space<vmem>>, vector<16xf32>,
    %get3A_72 = arith.constant 1 : i32
    %get3A_73 = arith.index_cast %get3A_72 : i32 to index
    %get3A_74 = arith.constant 32 : index
    %get3A_75 = tpu.vector_load %arg20[%get3A_73, %get3A_74] {strides = array<i32>} : memref<2x128xf32, #tpu.memory_space<vmem>>, vector<16xf32>,
    %get3A_76 = arith.constant 1 : i32
    %get3A_77 = arith.index_cast %get3A_76 : i32 to index
    %get3A_78 = arith.constant 48 : index
    %get3A_79 = tpu.vector_load %arg20[%get3A_77, %get3A_78] {strides = array<i32>} : memref<2x128xf32, #tpu.memory_space<vmem>>, vector<16xf32>,
    %get3A_80 = arith.constant 1 : i32
    %get3A_81 = arith.index_cast %get3A_80 : i32 to index
    %get3A_82 = arith.constant 64 : index
    %get3A_83 = tpu.vector_load %arg20[%get3A_81, %get3A_82] {strides = array<i32>} : memref<2x128xf32, #tpu.memory_space<vmem>>, vector<16xf32>,
    %get3A_84 = arith.constant 1 : i32
    %get3A_85 = arith.index_cast %get3A_84 : i32 to index
    %get3A_86 = arith.constant 80 : index
    %get3A_87 = tpu.vector_load %arg20[%get3A_85, %get3A_86] {strides = array<i32>} : memref<2x128xf32, #tpu.memory_space<vmem>>, vector<16xf32>,
    %get3A_88 = arith.constant 1 : i32
    %get3A_89 = arith.index_cast %get3A_88 : i32 to index
    %get3A_90 = arith.constant 96 : index
    %get3A_91 = tpu.vector_load %arg20[%get3A_89, %get3A_90] {strides = array<i32>} : memref<2x128xf32, #tpu.memory_space<vmem>>, vector<16xf32>,
    %get3A_92 = arith.constant 1 : i32
    %get3A_93 = arith.index_cast %get3A_92 : i32 to index
    %get3A_94 = arith.constant 112 : index
    %get3A_95 = tpu.vector_load %arg20[%get3A_93, %get3A_94] {strides = array<i32>} : memref<2x128xf32, #tpu.memory_space<vmem>>, vector<16xf32>,
    %get3A_96 = arith.constant 1 : i32
    %get3A_97 = arith.index_cast %get3A_96 : i32 to index
    %get3A_98 = arith.constant 0 : index
    %get3A_99 = tpu.vector_load %arg21[%get3A_97, %get3A_98] {strides = array<i32>} : memref<2x128xf32, #tpu.memory_space<vmem>>, vector<16xf32>,
    %get3A_100 = arith.constant 1 : i32
    %get3A_101 = arith.index_cast %get3A_100 : i32 to index
    %get3A_102 = arith.constant 16 : index
    %get3A_103 = tpu.vector_load %arg21[%get3A_101, %get3A_102] {strides = array<i32>} : memref<2x128xf32, #tpu.memory_space<vmem>>, vector<16xf32>,
    %get3A_104 = arith.constant 1 : i32
    %get3A_105 = arith.index_cast %get3A_104 : i32 to index
    %get3A_106 = arith.constant 32 : index
    %get3A_107 = tpu.vector_load %arg21[%get3A_105, %get3A_106] {strides = array<i32>} : memref<2x128xf32, #tpu.memory_space<vmem>>, vector<16xf32>,
    %get3A_108 = arith.constant 1 : i32
    %get3A_109 = arith.index_cast %get3A_108 : i32 to index
    %get3A_110 = arith.constant 48 : index
    %get3A_111 = tpu.vector_load %arg21[%get3A_109, %get3A_110] {strides = array<i32>} : memref<2x128xf32, #tpu.memory_space<vmem>>, vector<16xf32>,
    %get3A_112 = arith.constant 1 : i32
    %get3A_113 = arith.index_cast %get3A_112 : i32 to index
    %get3A_114 = arith.constant 64 : index
    %get3A_115 = tpu.vector_load %arg21[%get3A_113, %get3A_114] {strides = array<i32>} : memref<2x128xf32, #tpu.memory_space<vmem>>, vector<16xf32>,
    %get3A_116 = arith.constant 1 : i32
    %get3A_117 = arith.index_cast %get3A_116 : i32 to index
    %get3A_118 = arith.constant 80 : index
    %get3A_119 = tpu.vector_load %arg21[%get3A_117, %get3A_118] {strides = array<i32>} : memref<2x128xf32, #tpu.memory_space<vmem>>, vector<16xf32>,
    %get3A_120 = arith.constant 1 : i32
    %get3A_121 = arith.index_cast %get3A_120 : i32 to index
    %get3A_122 = arith.constant 96 : index
    %get3A_123 = tpu.vector_load %arg21[%get3A_121, %get3A_122] {strides = array<i32>} : memref<2x128xf32, #tpu.memory_space<vmem>>, vector<16xf32>,
    %get3A_124 = arith.constant 1 : i32
    %get3A_125 = arith.index_cast %get3A_124 : i32 to index
    %get3A_126 = arith.constant 112 : index
    %get3A_127 = tpu.vector_load %arg21[%get3A_125, %get3A_126] {strides = array<i32>} : memref<2x128xf32, #tpu.memory_space<vmem>>, vector<16xf32>,
    %broadcast_in_dim3A = arith.constant 0.000000e+00 : f32
    %broadcast_in_dim3A_128 = vector.broadcast %broadcast_in_dim3A : f32 to vector<16xf32>
    %iota3A = tpu.iota {dimensions = array<i32: 0>} : vector<16xi32>
    %scan3A = arith.constant 0 : i32
    %scan3A_129 = arith.constant 0 : i32
    %scan3A_130 = arith.constant 4 : i32
    %scan3A_131 = arith.addi %scan3A_129, %scan3A_130 : i32
    %scan3A_132 = arith.constant 1 : i32
    scf.for %scan3A_134 = %scan3A_129 to %scan3A_131 step %scan3A_132  : i32 {
      %mul3A_135 = arith.constant 512 : i32
      %mul3A_136 = arith.muli %add3A, %mul3A_135 : i32
      %mul3A_137 = arith.constant 128 : i32
      %mul3A_138 = arith.muli %scan3A_134, %mul3A_137 : i32
      %add3A_139 = arith.addi %mul3A_136, %mul3A_138 : i32
      %multiple_of3A = tpu.assume_multiple %add3A_139, 128 : i32
      "tpu.region"() ({
        %run_scoped3A = tpu.sem_alloc : memref<!tpu.dma_semaphore, #tpu.memory_space<semaphore_mem>>
        %dma_start3A_168 = tpu.memref_slice %arg2[%multiple_of3A] : memref<16384xi32, #tpu.memory_space<hbm>> -> memref<128xi32, #tpu.memory_space<hbm>>
        %dma_start3A_169 = tpu.memref_slice %arg2[%multiple_of3A] : memref<16384xi32, #tpu.memory_space<hbm>> -> memref<128xi32, #tpu.memory_space<hbm>>
        tpu.enqueue_dma source(%dma_start3A_169 : memref<128xi32, #tpu.memory_space<hbm>>) target(%arg12 : memref<128xi32, #tpu.memory_space<vmem>>) target_semaphore(%run_scoped3A : memref<!tpu.dma_semaphore, #tpu.memory_space<semaphore_mem>>)
        %dma_wait3A_170 = tpu.memref_slice %arg2[%multiple_of3A] : memref<16384xi32, #tpu.memory_space<hbm>> -> memref<128xi32, #tpu.memory_space<hbm>>
        %dma_wait3A_171 = tpu.memref_slice %arg2[%multiple_of3A] : memref<16384xi32, #tpu.memory_space<hbm>> -> memref<128xi32, #tpu.memory_space<hbm>>
        tpu.wait_dma2 semaphore(%run_scoped3A : memref<!tpu.dma_semaphore, #tpu.memory_space<semaphore_mem>>) src(%dma_wait3A_171 : memref<128xi32, #tpu.memory_space<hbm>>) dst(%arg12 : memref<128xi32, #tpu.memory_space<vmem>>)
        tpu.yield
      }) : () -> ()
      "tpu.region"() ({
        %run_scoped3A = tpu.sem_alloc : memref<!tpu.dma_semaphore, #tpu.memory_space<semaphore_mem>>
        %dma_start3A_168 = tpu.memref_slice %arg4[%multiple_of3A] : memref<16384xi32, #tpu.memory_space<hbm>> -> memref<128xi32, #tpu.memory_space<hbm>>
        %dma_start3A_169 = tpu.memref_slice %arg4[%multiple_of3A] : memref<16384xi32, #tpu.memory_space<hbm>> -> memref<128xi32, #tpu.memory_space<hbm>>
        tpu.enqueue_dma source(%dma_start3A_169 : memref<128xi32, #tpu.memory_space<hbm>>) target(%arg13 : memref<128xi32, #tpu.memory_space<vmem>>) target_semaphore(%run_scoped3A : memref<!tpu.dma_semaphore, #tpu.memory_space<semaphore_mem>>)
        %dma_wait3A_170 = tpu.memref_slice %arg4[%multiple_of3A] : memref<16384xi32, #tpu.memory_space<hbm>> -> memref<128xi32, #tpu.memory_space<hbm>>
        %dma_wait3A_171 = tpu.memref_slice %arg4[%multiple_of3A] : memref<16384xi32, #tpu.memory_space<hbm>> -> memref<128xi32, #tpu.memory_space<hbm>>
        tpu.wait_dma2 semaphore(%run_scoped3A : memref<!tpu.dma_semaphore, #tpu.memory_space<semaphore_mem>>) src(%dma_wait3A_171 : memref<128xi32, #tpu.memory_space<hbm>>) dst(%arg13 : memref<128xi32, #tpu.memory_space<vmem>>)
        tpu.yield
      }) : () -> ()
      "tpu.region"() ({
        %run_scoped3A = tpu.sem_alloc : memref<!tpu.dma_semaphore, #tpu.memory_space<semaphore_mem>>
        %dma_start3A_168 = tpu.memref_slice %arg3[%multiple_of3A] : memref<16384xi32, #tpu.memory_space<hbm>> -> memref<128xi32, #tpu.memory_space<hbm>>
        %dma_start3A_169 = tpu.memref_slice %arg3[%multiple_of3A] : memref<16384xi32, #tpu.memory_space<hbm>> -> memref<128xi32, #tpu.memory_space<hbm>>
        tpu.enqueue_dma source(%dma_start3A_169 : memref<128xi32, #tpu.memory_space<hbm>>) target(%arg14 : memref<128xi32, #tpu.memory_space<vmem>>) target_semaphore(%run_scoped3A : memref<!tpu.dma_semaphore, #tpu.memory_space<semaphore_mem>>)
        %dma_wait3A_170 = tpu.memref_slice %arg3[%multiple_of3A] : memref<16384xi32, #tpu.memory_space<hbm>> -> memref<128xi32, #tpu.memory_space<hbm>>
        %dma_wait3A_171 = tpu.memref_slice %arg3[%multiple_of3A] : memref<16384xi32, #tpu.memory_space<hbm>> -> memref<128xi32, #tpu.memory_space<hbm>>
        tpu.wait_dma2 semaphore(%run_scoped3A : memref<!tpu.dma_semaphore, #tpu.memory_space<semaphore_mem>>) src(%dma_wait3A_171 : memref<128xi32, #tpu.memory_space<hbm>>) dst(%arg14 : memref<128xi32, #tpu.memory_space<vmem>>)
        tpu.yield
      }) : () -> ()
      %dma_start3A = arith.constant 0 : i32
      %dma_start3A_140 = arith.constant 0 : i32
      %dma_start3A_141 = tpu.memref_slice %arg5[%dma_start3A, %dma_start3A_140] : memref<100000x128xf32, #tpu.memory_space<hbm>> -> memref<100000x128xf32, #tpu.memory_space<hbm>>
      tpu.enqueue_indirect_dma source(%dma_start3A_141 : memref<100000x128xf32, #tpu.memory_space<hbm>>) target(%arg15 : memref<128x128xf32, #tpu.memory_space<vmem>>) offsets(%arg12 : memref<128xi32, #tpu.memory_space<vmem>>) semaphore(%arg22 : memref<!tpu.dma_semaphore, #tpu.memory_space<semaphore_mem>>)
      %dma_start3A_142 = arith.constant 0 : i32
      %dma_start3A_143 = arith.constant 0 : i32
      %dma_start3A_144 = tpu.memref_slice %arg6[%dma_start3A_142, %dma_start3A_143] : memref<100000x128xf32, #tpu.memory_space<hbm>> -> memref<100000x128xf32, #tpu.memory_space<hbm>>
      tpu.enqueue_indirect_dma source(%dma_start3A_144 : memref<100000x128xf32, #tpu.memory_space<hbm>>) target(%arg16 : memref<128x128xf32, #tpu.memory_space<vmem>>) offsets(%arg12 : memref<128xi32, #tpu.memory_space<vmem>>) semaphore(%arg22 : memref<!tpu.dma_semaphore, #tpu.memory_space<semaphore_mem>>)
      %dma_start3A_145 = arith.constant 0 : i32
      %dma_start3A_146 = arith.constant 0 : i32
      %dma_start3A_147 = tpu.memref_slice %arg7[%dma_start3A_145, %dma_start3A_146] : memref<100000x128xf32, #tpu.memory_space<hbm>> -> memref<100000x128xf32, #tpu.memory_space<hbm>>
      tpu.enqueue_indirect_dma source(%dma_start3A_147 : memref<100000x128xf32, #tpu.memory_space<hbm>>) target(%arg17 : memref<128x128xf32, #tpu.memory_space<vmem>>) offsets(%arg13 : memref<128xi32, #tpu.memory_space<vmem>>) semaphore(%arg22 : memref<!tpu.dma_semaphore, #tpu.memory_space<semaphore_mem>>)
      %dma_start3A_148 = arith.constant 0 : i32
      %dma_start3A_149 = arith.constant 0 : i32
      %dma_start3A_150 = tpu.memref_slice %arg8[%dma_start3A_148, %dma_start3A_149] : memref<100000x128xf32, #tpu.memory_space<hbm>> -> memref<100000x128xf32, #tpu.memory_space<hbm>>
      tpu.enqueue_indirect_dma source(%dma_start3A_150 : memref<100000x128xf32, #tpu.memory_space<hbm>>) target(%arg18 : memref<128x128xf32, #tpu.memory_space<vmem>>) offsets(%arg13 : memref<128xi32, #tpu.memory_space<vmem>>) semaphore(%arg22 : memref<!tpu.dma_semaphore, #tpu.memory_space<semaphore_mem>>)
      %dma_wait3A = arith.constant 0 : i32
      %dma_wait3A_151 = arith.constant 0 : i32
      %dma_wait3A_152 = tpu.memref_slice %arg5[%dma_wait3A, %dma_wait3A_151] : memref<100000x128xf32, #tpu.memory_space<hbm>> -> memref<100000x128xf32, #tpu.memory_space<hbm>>
      tpu.wait_indirect_dma semaphore(%arg22 : memref<!tpu.dma_semaphore, #tpu.memory_space<semaphore_mem>>) src(%dma_wait3A_152 : memref<100000x128xf32, #tpu.memory_space<hbm>>) dst(%arg15 : memref<128x128xf32, #tpu.memory_space<vmem>>)
      %dma_wait3A_153 = arith.constant 0 : i32
      %dma_wait3A_154 = arith.constant 0 : i32
      %dma_wait3A_155 = tpu.memref_slice %arg6[%dma_wait3A_153, %dma_wait3A_154] : memref<100000x128xf32, #tpu.memory_space<hbm>> -> memref<100000x128xf32, #tpu.memory_space<hbm>>
      tpu.wait_indirect_dma semaphore(%arg22 : memref<!tpu.dma_semaphore, #tpu.memory_space<semaphore_mem>>) src(%dma_wait3A_155 : memref<100000x128xf32, #tpu.memory_space<hbm>>) dst(%arg16 : memref<128x128xf32, #tpu.memory_space<vmem>>)
      %dma_wait3A_156 = arith.constant 0 : i32
      %dma_wait3A_157 = arith.constant 0 : i32
      %dma_wait3A_158 = tpu.memref_slice %arg7[%dma_wait3A_156, %dma_wait3A_157] : memref<100000x128xf32, #tpu.memory_space<hbm>> -> memref<100000x128xf32, #tpu.memory_space<hbm>>
      tpu.wait_indirect_dma semaphore(%arg22 : memref<!tpu.dma_semaphore, #tpu.memory_space<semaphore_mem>>) src(%dma_wait3A_158 : memref<100000x128xf32, #tpu.memory_space<hbm>>) dst(%arg17 : memref<128x128xf32, #tpu.memory_space<vmem>>)
      %dma_wait3A_159 = arith.constant 0 : i32
      %dma_wait3A_160 = arith.constant 0 : i32
      %dma_wait3A_161 = tpu.memref_slice %arg8[%dma_wait3A_159, %dma_wait3A_160] : memref<100000x128xf32, #tpu.memory_space<hbm>> -> memref<100000x128xf32, #tpu.memory_space<hbm>>
      tpu.wait_indirect_dma semaphore(%arg22 : memref<!tpu.dma_semaphore, #tpu.memory_space<semaphore_mem>>) src(%dma_wait3A_161 : memref<100000x128xf32, #tpu.memory_space<hbm>>) dst(%arg18 : memref<128x128xf32, #tpu.memory_space<vmem>>)
      %scan3A_162 = arith.constant 0 : i32
      %scan3A_163 = arith.constant 128 : i32
      %scan3A_164 = arith.addi %scan3A_162, %scan3A_163 : i32
      %scan3A_165 = arith.constant 2 : i32
      %scan3A_166:2 = scf.for %scan3A_168 = %scan3A_162 to %scan3A_164 step %scan3A_165 iter_args(%scan3A_169 = %broadcast_in_dim3A_128, %scan3A_170 = %broadcast_in_dim3A_128) -> (vector<16xf32>, vector<16xf32>)  : i32 {
        %get3A_171 = arith.index_cast %scan3A_168 : i32 to index
        %get3A_172 = arith.constant 0 : index
        %get3A_173 = tpu.vector_load %arg15[%get3A_171, %get3A_172] {strides = array<i32>} : memref<128x128xf32, #tpu.memory_space<vmem>>, vector<16xf32>,
        %get3A_174 = arith.index_cast %scan3A_168 : i32 to index
        %get3A_175 = arith.constant 0 : index
        %get3A_176 = tpu.vector_load %arg16[%get3A_174, %get3A_175] {strides = array<i32>} : memref<128x128xf32, #tpu.memory_space<vmem>>, vector<16xf32>,
        %get3A_177 = arith.index_cast %scan3A_168 : i32 to index
        %get3A_178 = arith.constant 0 : index
        %get3A_179 = tpu.vector_load %arg17[%get3A_177, %get3A_178] {strides = array<i32>} : memref<128x128xf32, #tpu.memory_space<vmem>>, vector<16xf32>,
        %get3A_180 = arith.index_cast %scan3A_168 : i32 to index
        %get3A_181 = arith.constant 0 : index
        %get3A_182 = tpu.vector_load %arg18[%get3A_180, %get3A_181] {strides = array<i32>} : memref<128x128xf32, #tpu.memory_space<vmem>>, vector<16xf32>,
        %mul3A_183 = arith.mulf %get3A_173, %get3A_179 : vector<16xf32>
        %mul3A_184 = arith.mulf %get3A_176, %get3A_182 : vector<16xf32>
        %add3A_185 = arith.addf %mul3A_183, %mul3A_184 : vector<16xf32>
        %mul3A_186 = arith.mulf %get3A_173, %get3A_182 : vector<16xf32>
        %mul3A_187 = arith.mulf %get3A_176, %get3A_179 : vector<16xf32>
        %sub3A = arith.subf %mul3A_186, %mul3A_187 : vector<16xf32>
        %mul3A_188 = arith.mulf %add3A_185, %get3A_3 : vector<16xf32>
        %add3A_189 = arith.addf %broadcast_in_dim3A_128, %mul3A_188 : vector<16xf32>
        %mul3A_190 = arith.mulf %sub3A, %get3A_35 : vector<16xf32>
        %add3A_191 = arith.addf %add3A_189, %mul3A_190 : vector<16xf32>
        %mul3A_192 = arith.mulf %add3A_185, %get3A_67 : vector<16xf32>
        %add3A_193 = arith.addf %broadcast_in_dim3A_128, %mul3A_192 : vector<16xf32>
        %mul3A_194 = arith.mulf %sub3A, %get3A_99 : vector<16xf32>
        %add3A_195 = arith.addf %add3A_193, %mul3A_194 : vector<16xf32>
        %get3A_196 = arith.index_cast %scan3A_168 : i32 to index
        %get3A_197 = arith.constant 16 : index
        %get3A_198 = tpu.vector_load %arg15[%get3A_196, %get3A_197] {strides = array<i32>} : memref<128x128xf32, #tpu.memory_space<vmem>>, vector<16xf32>,
        %get3A_199 = arith.index_cast %scan3A_168 : i32 to index
        %get3A_200 = arith.constant 16 : index
        %get3A_201 = tpu.vector_load %arg16[%get3A_199, %get3A_200] {strides = array<i32>} : memref<128x128xf32, #tpu.memory_space<vmem>>, vector<16xf32>,
        %get3A_202 = arith.index_cast %scan3A_168 : i32 to index
        %get3A_203 = arith.constant 16 : index
        %get3A_204 = tpu.vector_load %arg17[%get3A_202, %get3A_203] {strides = array<i32>} : memref<128x128xf32, #tpu.memory_space<vmem>>, vector<16xf32>,
        %get3A_205 = arith.index_cast %scan3A_168 : i32 to index
        %get3A_206 = arith.constant 16 : index
        %get3A_207 = tpu.vector_load %arg18[%get3A_205, %get3A_206] {strides = array<i32>} : memref<128x128xf32, #tpu.memory_space<vmem>>, vector<16xf32>,
        %mul3A_208 = arith.mulf %get3A_198, %get3A_204 : vector<16xf32>
        %mul3A_209 = arith.mulf %get3A_201, %get3A_207 : vector<16xf32>
        %add3A_210 = arith.addf %mul3A_208, %mul3A_209 : vector<16xf32>
        %mul3A_211 = arith.mulf %get3A_198, %get3A_207 : vector<16xf32>
        %mul3A_212 = arith.mulf %get3A_201, %get3A_204 : vector<16xf32>
        %sub3A_213 = arith.subf %mul3A_211, %mul3A_212 : vector<16xf32>
        %mul3A_214 = arith.mulf %add3A_210, %get3A_7 : vector<16xf32>
        %add3A_215 = arith.addf %add3A_191, %mul3A_214 : vector<16xf32>
        %mul3A_216 = arith.mulf %sub3A_213, %get3A_39 : vector<16xf32>
        %add3A_217 = arith.addf %add3A_215, %mul3A_216 : vector<16xf32>
        %mul3A_218 = arith.mulf %add3A_210, %get3A_71 : vector<16xf32>
        %add3A_219 = arith.addf %add3A_195, %mul3A_218 : vector<16xf32>
        %mul3A_220 = arith.mulf %sub3A_213, %get3A_103 : vector<16xf32>
        %add3A_221 = arith.addf %add3A_219, %mul3A_220 : vector<16xf32>
        %get3A_222 = arith.index_cast %scan3A_168 : i32 to index
        %get3A_223 = arith.constant 32 : index
        %get3A_224 = tpu.vector_load %arg15[%get3A_222, %get3A_223] {strides = array<i32>} : memref<128x128xf32, #tpu.memory_space<vmem>>, vector<16xf32>,
        %get3A_225 = arith.index_cast %scan3A_168 : i32 to index
        %get3A_226 = arith.constant 32 : index
        %get3A_227 = tpu.vector_load %arg16[%get3A_225, %get3A_226] {strides = array<i32>} : memref<128x128xf32, #tpu.memory_space<vmem>>, vector<16xf32>,
        %get3A_228 = arith.index_cast %scan3A_168 : i32 to index
        %get3A_229 = arith.constant 32 : index
        %get3A_230 = tpu.vector_load %arg17[%get3A_228, %get3A_229] {strides = array<i32>} : memref<128x128xf32, #tpu.memory_space<vmem>>, vector<16xf32>,
        %get3A_231 = arith.index_cast %scan3A_168 : i32 to index
        %get3A_232 = arith.constant 32 : index
        %get3A_233 = tpu.vector_load %arg18[%get3A_231, %get3A_232] {strides = array<i32>} : memref<128x128xf32, #tpu.memory_space<vmem>>, vector<16xf32>,
        %mul3A_234 = arith.mulf %get3A_224, %get3A_230 : vector<16xf32>
        %mul3A_235 = arith.mulf %get3A_227, %get3A_233 : vector<16xf32>
        %add3A_236 = arith.addf %mul3A_234, %mul3A_235 : vector<16xf32>
        %mul3A_237 = arith.mulf %get3A_224, %get3A_233 : vector<16xf32>
        %mul3A_238 = arith.mulf %get3A_227, %get3A_230 : vector<16xf32>
        %sub3A_239 = arith.subf %mul3A_237, %mul3A_238 : vector<16xf32>
        %mul3A_240 = arith.mulf %add3A_236, %get3A_11 : vector<16xf32>
        %add3A_241 = arith.addf %add3A_217, %mul3A_240 : vector<16xf32>
        %mul3A_242 = arith.mulf %sub3A_239, %get3A_43 : vector<16xf32>
        %add3A_243 = arith.addf %add3A_241, %mul3A_242 : vector<16xf32>
        %mul3A_244 = arith.mulf %add3A_236, %get3A_75 : vector<16xf32>
        %add3A_245 = arith.addf %add3A_221, %mul3A_244 : vector<16xf32>
        %mul3A_246 = arith.mulf %sub3A_239, %get3A_107 : vector<16xf32>
        %add3A_247 = arith.addf %add3A_245, %mul3A_246 : vector<16xf32>
        %get3A_248 = arith.index_cast %scan3A_168 : i32 to index
        %get3A_249 = arith.constant 48 : index
        %get3A_250 = tpu.vector_load %arg15[%get3A_248, %get3A_249] {strides = array<i32>} : memref<128x128xf32, #tpu.memory_space<vmem>>, vector<16xf32>,
        %get3A_251 = arith.index_cast %scan3A_168 : i32 to index
        %get3A_252 = arith.constant 48 : index
        %get3A_253 = tpu.vector_load %arg16[%get3A_251, %get3A_252] {strides = array<i32>} : memref<128x128xf32, #tpu.memory_space<vmem>>, vector<16xf32>,
        %get3A_254 = arith.index_cast %scan3A_168 : i32 to index
        %get3A_255 = arith.constant 48 : index
        %get3A_256 = tpu.vector_load %arg17[%get3A_254, %get3A_255] {strides = array<i32>} : memref<128x128xf32, #tpu.memory_space<vmem>>, vector<16xf32>,
        %get3A_257 = arith.index_cast %scan3A_168 : i32 to index
        %get3A_258 = arith.constant 48 : index
        %get3A_259 = tpu.vector_load %arg18[%get3A_257, %get3A_258] {strides = array<i32>} : memref<128x128xf32, #tpu.memory_space<vmem>>, vector<16xf32>,
        %mul3A_260 = arith.mulf %get3A_250, %get3A_256 : vector<16xf32>
        %mul3A_261 = arith.mulf %get3A_253, %get3A_259 : vector<16xf32>
        %add3A_262 = arith.addf %mul3A_260, %mul3A_261 : vector<16xf32>
        %mul3A_263 = arith.mulf %get3A_250, %get3A_259 : vector<16xf32>
        %mul3A_264 = arith.mulf %get3A_253, %get3A_256 : vector<16xf32>
        %sub3A_265 = arith.subf %mul3A_263, %mul3A_264 : vector<16xf32>
        %mul3A_266 = arith.mulf %add3A_262, %get3A_15 : vector<16xf32>
        %add3A_267 = arith.addf %add3A_243, %mul3A_266 : vector<16xf32>
        %mul3A_268 = arith.mulf %sub3A_265, %get3A_47 : vector<16xf32>
        %add3A_269 = arith.addf %add3A_267, %mul3A_268 : vector<16xf32>
        %mul3A_270 = arith.mulf %add3A_262, %get3A_79 : vector<16xf32>
        %add3A_271 = arith.addf %add3A_247, %mul3A_270 : vector<16xf32>
        %mul3A_272 = arith.mulf %sub3A_265, %get3A_111 : vector<16xf32>
        %add3A_273 = arith.addf %add3A_271, %mul3A_272 : vector<16xf32>
        %get3A_274 = arith.index_cast %scan3A_168 : i32 to index
        %get3A_275 = arith.constant 64 : index
        %get3A_276 = tpu.vector_load %arg15[%get3A_274, %get3A_275] {strides = array<i32>} : memref<128x128xf32, #tpu.memory_space<vmem>>, vector<16xf32>,
        %get3A_277 = arith.index_cast %scan3A_168 : i32 to index
        %get3A_278 = arith.constant 64 : index
        %get3A_279 = tpu.vector_load %arg16[%get3A_277, %get3A_278] {strides = array<i32>} : memref<128x128xf32, #tpu.memory_space<vmem>>, vector<16xf32>,
        %get3A_280 = arith.index_cast %scan3A_168 : i32 to index
        %get3A_281 = arith.constant 64 : index
        %get3A_282 = tpu.vector_load %arg17[%get3A_280, %get3A_281] {strides = array<i32>} : memref<128x128xf32, #tpu.memory_space<vmem>>, vector<16xf32>,
        %get3A_283 = arith.index_cast %scan3A_168 : i32 to index
        %get3A_284 = arith.constant 64 : index
        %get3A_285 = tpu.vector_load %arg18[%get3A_283, %get3A_284] {strides = array<i32>} : memref<128x128xf32, #tpu.memory_space<vmem>>, vector<16xf32>,
        %mul3A_286 = arith.mulf %get3A_276, %get3A_282 : vector<16xf32>
        %mul3A_287 = arith.mulf %get3A_279, %get3A_285 : vector<16xf32>
        %add3A_288 = arith.addf %mul3A_286, %mul3A_287 : vector<16xf32>
        %mul3A_289 = arith.mulf %get3A_276, %get3A_285 : vector<16xf32>
        %mul3A_290 = arith.mulf %get3A_279, %get3A_282 : vector<16xf32>
        %sub3A_291 = arith.subf %mul3A_289, %mul3A_290 : vector<16xf32>
        %mul3A_292 = arith.mulf %add3A_288, %get3A_19 : vector<16xf32>
        %add3A_293 = arith.addf %add3A_269, %mul3A_292 : vector<16xf32>
        %mul3A_294 = arith.mulf %sub3A_291, %get3A_51 : vector<16xf32>
        %add3A_295 = arith.addf %add3A_293, %mul3A_294 : vector<16xf32>
        %mul3A_296 = arith.mulf %add3A_288, %get3A_83 : vector<16xf32>
        %add3A_297 = arith.addf %add3A_273, %mul3A_296 : vector<16xf32>
        %mul3A_298 = arith.mulf %sub3A_291, %get3A_115 : vector<16xf32>
        %add3A_299 = arith.addf %add3A_297, %mul3A_298 : vector<16xf32>
        %get3A_300 = arith.index_cast %scan3A_168 : i32 to index
        %get3A_301 = arith.constant 80 : index
        %get3A_302 = tpu.vector_load %arg15[%get3A_300, %get3A_301] {strides = array<i32>} : memref<128x128xf32, #tpu.memory_space<vmem>>, vector<16xf32>,
        %get3A_303 = arith.index_cast %scan3A_168 : i32 to index
        %get3A_304 = arith.constant 80 : index
        %get3A_305 = tpu.vector_load %arg16[%get3A_303, %get3A_304] {strides = array<i32>} : memref<128x128xf32, #tpu.memory_space<vmem>>, vector<16xf32>,
        %get3A_306 = arith.index_cast %scan3A_168 : i32 to index
        %get3A_307 = arith.constant 80 : index
        %get3A_308 = tpu.vector_load %arg17[%get3A_306, %get3A_307] {strides = array<i32>} : memref<128x128xf32, #tpu.memory_space<vmem>>, vector<16xf32>,
        %get3A_309 = arith.index_cast %scan3A_168 : i32 to index
        %get3A_310 = arith.constant 80 : index
        %get3A_311 = tpu.vector_load %arg18[%get3A_309, %get3A_310] {strides = array<i32>} : memref<128x128xf32, #tpu.memory_space<vmem>>, vector<16xf32>,
        %mul3A_312 = arith.mulf %get3A_302, %get3A_308 : vector<16xf32>
        %mul3A_313 = arith.mulf %get3A_305, %get3A_311 : vector<16xf32>
        %add3A_314 = arith.addf %mul3A_312, %mul3A_313 : vector<16xf32>
        %mul3A_315 = arith.mulf %get3A_302, %get3A_311 : vector<16xf32>
        %mul3A_316 = arith.mulf %get3A_305, %get3A_308 : vector<16xf32>
        %sub3A_317 = arith.subf %mul3A_315, %mul3A_316 : vector<16xf32>
        %mul3A_318 = arith.mulf %add3A_314, %get3A_23 : vector<16xf32>
        %add3A_319 = arith.addf %add3A_295, %mul3A_318 : vector<16xf32>
        %mul3A_320 = arith.mulf %sub3A_317, %get3A_55 : vector<16xf32>
        %add3A_321 = arith.addf %add3A_319, %mul3A_320 : vector<16xf32>
        %mul3A_322 = arith.mulf %add3A_314, %get3A_87 : vector<16xf32>
        %add3A_323 = arith.addf %add3A_299, %mul3A_322 : vector<16xf32>
        %mul3A_324 = arith.mulf %sub3A_317, %get3A_119 : vector<16xf32>
        %add3A_325 = arith.addf %add3A_323, %mul3A_324 : vector<16xf32>
        %get3A_326 = arith.index_cast %scan3A_168 : i32 to index
        %get3A_327 = arith.constant 96 : index
        %get3A_328 = tpu.vector_load %arg15[%get3A_326, %get3A_327] {strides = array<i32>} : memref<128x128xf32, #tpu.memory_space<vmem>>, vector<16xf32>,
        %get3A_329 = arith.index_cast %scan3A_168 : i32 to index
        %get3A_330 = arith.constant 96 : index
        %get3A_331 = tpu.vector_load %arg16[%get3A_329, %get3A_330] {strides = array<i32>} : memref<128x128xf32, #tpu.memory_space<vmem>>, vector<16xf32>,
        %get3A_332 = arith.index_cast %scan3A_168 : i32 to index
        %get3A_333 = arith.constant 96 : index
        %get3A_334 = tpu.vector_load %arg17[%get3A_332, %get3A_333] {strides = array<i32>} : memref<128x128xf32, #tpu.memory_space<vmem>>, vector<16xf32>,
        %get3A_335 = arith.index_cast %scan3A_168 : i32 to index
        %get3A_336 = arith.constant 96 : index
        %get3A_337 = tpu.vector_load %arg18[%get3A_335, %get3A_336] {strides = array<i32>} : memref<128x128xf32, #tpu.memory_space<vmem>>, vector<16xf32>,
        %mul3A_338 = arith.mulf %get3A_328, %get3A_334 : vector<16xf32>
        %mul3A_339 = arith.mulf %get3A_331, %get3A_337 : vector<16xf32>
        %add3A_340 = arith.addf %mul3A_338, %mul3A_339 : vector<16xf32>
        %mul3A_341 = arith.mulf %get3A_328, %get3A_337 : vector<16xf32>
        %mul3A_342 = arith.mulf %get3A_331, %get3A_334 : vector<16xf32>
        %sub3A_343 = arith.subf %mul3A_341, %mul3A_342 : vector<16xf32>
        %mul3A_344 = arith.mulf %add3A_340, %get3A_27 : vector<16xf32>
        %add3A_345 = arith.addf %add3A_321, %mul3A_344 : vector<16xf32>
        %mul3A_346 = arith.mulf %sub3A_343, %get3A_59 : vector<16xf32>
        %add3A_347 = arith.addf %add3A_345, %mul3A_346 : vector<16xf32>
        %mul3A_348 = arith.mulf %add3A_340, %get3A_91 : vector<16xf32>
        %add3A_349 = arith.addf %add3A_325, %mul3A_348 : vector<16xf32>
        %mul3A_350 = arith.mulf %sub3A_343, %get3A_123 : vector<16xf32>
        %add3A_351 = arith.addf %add3A_349, %mul3A_350 : vector<16xf32>
        %get3A_352 = arith.index_cast %scan3A_168 : i32 to index
        %get3A_353 = arith.constant 112 : index
        %get3A_354 = tpu.vector_load %arg15[%get3A_352, %get3A_353] {strides = array<i32>} : memref<128x128xf32, #tpu.memory_space<vmem>>, vector<16xf32>,
        %get3A_355 = arith.index_cast %scan3A_168 : i32 to index
        %get3A_356 = arith.constant 112 : index
        %get3A_357 = tpu.vector_load %arg16[%get3A_355, %get3A_356] {strides = array<i32>} : memref<128x128xf32, #tpu.memory_space<vmem>>, vector<16xf32>,
        %get3A_358 = arith.index_cast %scan3A_168 : i32 to index
        %get3A_359 = arith.constant 112 : index
        %get3A_360 = tpu.vector_load %arg17[%get3A_358, %get3A_359] {strides = array<i32>} : memref<128x128xf32, #tpu.memory_space<vmem>>, vector<16xf32>,
        %get3A_361 = arith.index_cast %scan3A_168 : i32 to index
        %get3A_362 = arith.constant 112 : index
        %get3A_363 = tpu.vector_load %arg18[%get3A_361, %get3A_362] {strides = array<i32>} : memref<128x128xf32, #tpu.memory_space<vmem>>, vector<16xf32>,
        %mul3A_364 = arith.mulf %get3A_354, %get3A_360 : vector<16xf32>
        %mul3A_365 = arith.mulf %get3A_357, %get3A_363 : vector<16xf32>
        %add3A_366 = arith.addf %mul3A_364, %mul3A_365 : vector<16xf32>
        %mul3A_367 = arith.mulf %get3A_354, %get3A_363 : vector<16xf32>
        %mul3A_368 = arith.mulf %get3A_357, %get3A_360 : vector<16xf32>
        %sub3A_369 = arith.subf %mul3A_367, %mul3A_368 : vector<16xf32>
        %mul3A_370 = arith.mulf %add3A_366, %get3A_31 : vector<16xf32>
        %add3A_371 = arith.addf %add3A_347, %mul3A_370 : vector<16xf32>
        %mul3A_372 = arith.mulf %sub3A_369, %get3A_63 : vector<16xf32>
        %add3A_373 = arith.addf %add3A_371, %mul3A_372 : vector<16xf32>
        %mul3A_374 = arith.mulf %add3A_366, %get3A_95 : vector<16xf32>
        %add3A_375 = arith.addf %add3A_351, %mul3A_374 : vector<16xf32>
        %mul3A_376 = arith.mulf %sub3A_369, %get3A_127 : vector<16xf32>
        %add3A_377 = arith.addf %add3A_375, %mul3A_376 : vector<16xf32>
        %jit3A = arith.constant 16 : i32
        %eq3A = arith.constant 0 : i32
        %eq3A_378 = arith.cmpi eq, %jit3A, %eq3A : i32
        %jit3A_379 = arith.constant 1 : i32
        %select_n3A = arith.select %eq3A_378, %jit3A_379, %jit3A : i32
        %rem3A = arith.remsi %scan3A_168, %select_n3A : i32
        %ne3A = arith.constant 0 : i32
        %ne3A_380 = arith.cmpi ne, %rem3A, %ne3A : i32
        %lt3A = arith.constant 0 : i32
        %lt3A_381 = arith.cmpi slt, %rem3A, %lt3A : i32
        %lt3A_382 = arith.constant 0 : i32
        %lt3A_383 = arith.cmpi slt, %select_n3A, %lt3A_382 : i32
        %ne3A_384 = arith.xori %lt3A_381, %lt3A_383 : i1
        %and3A = arith.andi %ne3A_384, %ne3A_380 : i1
        %add3A_385 = arith.addi %rem3A, %select_n3A : i32
        %select_n3A_386 = arith.select %and3A, %add3A_385, %rem3A : i32
        %eq3A_387 = vector.broadcast %select_n3A_386 : i32 to vector<16xi32>
        %eq3A_388 = arith.cmpi eq, %iota3A, %eq3A_387 : vector<16xi32>
        %reduce_sum3A = arith.constant true
        %reduce_sum3A_389 = vector.broadcast %reduce_sum3A : i1 to vector<16xi1>
        %reduce_sum3A_390 = tpu.scan <sum>, %add3A_373 masked %reduce_sum3A_389 : vector<16xf32>, vector<16xi1> -> vector<16xf32>
        %reduce_sum3A_391 = vector.extract %reduce_sum3A_390[15] : f32 from vector<16xf32>
        %broadcast_in_dim3A_392 = vector.broadcast %reduce_sum3A_391 : f32 to vector<16xf32>
        %select_n3A_393 = arith.select %eq3A_388, %broadcast_in_dim3A_392, %scan3A_169 : vector<16xi1>, vector<16xf32>
        %eq3A_394 = vector.broadcast %select_n3A_386 : i32 to vector<16xi32>
        %eq3A_395 = arith.cmpi eq, %iota3A, %eq3A_394 : vector<16xi32>
        %reduce_sum3A_396 = arith.constant true
        %reduce_sum3A_397 = vector.broadcast %reduce_sum3A_396 : i1 to vector<16xi1>
        %reduce_sum3A_398 = tpu.scan <sum>, %add3A_377 masked %reduce_sum3A_397 : vector<16xf32>, vector<16xi1> -> vector<16xf32>
        %reduce_sum3A_399 = vector.extract %reduce_sum3A_398[15] : f32 from vector<16xf32>
        %broadcast_in_dim3A_400 = vector.broadcast %reduce_sum3A_399 : f32 to vector<16xf32>
        %select_n3A_401 = arith.select %eq3A_395, %broadcast_in_dim3A_400, %scan3A_170 : vector<16xi1>, vector<16xf32>
        %eq3A_402 = arith.constant 15 : i32
        %eq3A_403 = arith.cmpi eq, %select_n3A_386, %eq3A_402 : i32
        %convert_element_type3A = arith.extui %eq3A_403 : i1 to i32
        %cond3A = arith.constant 0 : i32
        %cond3A_404 = arith.cmpi ne, %convert_element_type3A, %cond3A : i32
        scf.if %cond3A_404 {
          %sub3A_660 = arith.constant 15 : i32
          %sub3A_661 = arith.subi %scan3A_168, %sub3A_660 : i32
          %multiple_of3A_662 = tpu.assume_multiple %sub3A_661, 16 : i32
          %get3A_663 = arith.index_cast %multiple_of3A_662 : i32 to index
          %get3A_664 = tpu.vector_load %arg14[%get3A_663] {strides = array<i32>} : memref<128xi32, #tpu.memory_space<vmem>>, vector<16xi32>,
          %eq3A_665 = arith.constant 0 : i32
          %eq3A_666 = vector.broadcast %eq3A_665 : i32 to vector<16xi32>
          %eq3A_667 = arith.cmpi eq, %get3A_664, %eq3A_666 : vector<16xi32>
          %select_n3A_668 = arith.select %eq3A_667, %select_n3A_393, %select_n3A_401 : vector<16xi1>, vector<16xf32>
          %swap3A = arith.index_cast %multiple_of3A_662 : i32 to index
          %swap3A_669 = tpu.vector_load %arg19[%swap3A] {strides = array<i32>} : memref<128xf32, #tpu.memory_space<vmem>>, vector<16xf32>,
          tpu.vector_store %arg19[%swap3A], %select_n3A_668 {strides = array<i32>} : memref<128xf32, #tpu.memory_space<vmem>>, vector<16xf32>,
        } else {
        }
        %eq3A_405 = arith.constant 15 : i32
        %eq3A_406 = arith.cmpi eq, %select_n3A_386, %eq3A_405 : i32
        %select_n3A_407 = arith.select %eq3A_406, %broadcast_in_dim3A_128, %select_n3A_393 : vector<16xf32>
        %select_n3A_408 = arith.select %eq3A_406, %broadcast_in_dim3A_128, %select_n3A_401 : vector<16xf32>
        %scan3A_409 = arith.constant 1 : i32
        %scan3A_410 = arith.addi %scan3A_168, %scan3A_409 : i32
        %get3A_411 = arith.index_cast %scan3A_410 : i32 to index
        %get3A_412 = arith.constant 0 : index
        %get3A_413 = tpu.vector_load %arg15[%get3A_411, %get3A_412] {strides = array<i32>} : memref<128x128xf32, #tpu.memory_space<vmem>>, vector<16xf32>,
        %get3A_414 = arith.index_cast %scan3A_410 : i32 to index
        %get3A_415 = arith.constant 0 : index
        %get3A_416 = tpu.vector_load %arg16[%get3A_414, %get3A_415] {strides = array<i32>} : memref<128x128xf32, #tpu.memory_space<vmem>>, vector<16xf32>,
        %get3A_417 = arith.index_cast %scan3A_410 : i32 to index
        %get3A_418 = arith.constant 0 : index
        %get3A_419 = tpu.vector_load %arg17[%get3A_417, %get3A_418] {strides = array<i32>} : memref<128x128xf32, #tpu.memory_space<vmem>>, vector<16xf32>,
        %get3A_420 = arith.index_cast %scan3A_410 : i32 to index
        %get3A_421 = arith.constant 0 : index
        %get3A_422 = tpu.vector_load %arg18[%get3A_420, %get3A_421] {strides = array<i32>} : memref<128x128xf32, #tpu.memory_space<vmem>>, vector<16xf32>,
        %mul3A_423 = arith.mulf %get3A_413, %get3A_419 : vector<16xf32>
        %mul3A_424 = arith.mulf %get3A_416, %get3A_422 : vector<16xf32>
        %add3A_425 = arith.addf %mul3A_423, %mul3A_424 : vector<16xf32>
        %mul3A_426 = arith.mulf %get3A_413, %get3A_422 : vector<16xf32>
        %mul3A_427 = arith.mulf %get3A_416, %get3A_419 : vector<16xf32>
        %sub3A_428 = arith.subf %mul3A_426, %mul3A_427 : vector<16xf32>
        %mul3A_429 = arith.mulf %add3A_425, %get3A_3 : vector<16xf32>
        %add3A_430 = arith.addf %broadcast_in_dim3A_128, %mul3A_429 : vector<16xf32>
        %mul3A_431 = arith.mulf %sub3A_428, %get3A_35 : vector<16xf32>
        %add3A_432 = arith.addf %add3A_430, %mul3A_431 : vector<16xf32>
        %mul3A_433 = arith.mulf %add3A_425, %get3A_67 : vector<16xf32>
        %add3A_434 = arith.addf %broadcast_in_dim3A_128, %mul3A_433 : vector<16xf32>
        %mul3A_435 = arith.mulf %sub3A_428, %get3A_99 : vector<16xf32>
        %add3A_436 = arith.addf %add3A_434, %mul3A_435 : vector<16xf32>
        %get3A_437 = arith.index_cast %scan3A_410 : i32 to index
        %get3A_438 = arith.constant 16 : index
        %get3A_439 = tpu.vector_load %arg15[%get3A_437, %get3A_438] {strides = array<i32>} : memref<128x128xf32, #tpu.memory_space<vmem>>, vector<16xf32>,
        %get3A_440 = arith.index_cast %scan3A_410 : i32 to index
        %get3A_441 = arith.constant 16 : index
        %get3A_442 = tpu.vector_load %arg16[%get3A_440, %get3A_441] {strides = array<i32>} : memref<128x128xf32, #tpu.memory_space<vmem>>, vector<16xf32>,
        %get3A_443 = arith.index_cast %scan3A_410 : i32 to index
        %get3A_444 = arith.constant 16 : index
        %get3A_445 = tpu.vector_load %arg17[%get3A_443, %get3A_444] {strides = array<i32>} : memref<128x128xf32, #tpu.memory_space<vmem>>, vector<16xf32>,
        %get3A_446 = arith.index_cast %scan3A_410 : i32 to index
        %get3A_447 = arith.constant 16 : index
        %get3A_448 = tpu.vector_load %arg18[%get3A_446, %get3A_447] {strides = array<i32>} : memref<128x128xf32, #tpu.memory_space<vmem>>, vector<16xf32>,
        %mul3A_449 = arith.mulf %get3A_439, %get3A_445 : vector<16xf32>
        %mul3A_450 = arith.mulf %get3A_442, %get3A_448 : vector<16xf32>
        %add3A_451 = arith.addf %mul3A_449, %mul3A_450 : vector<16xf32>
        %mul3A_452 = arith.mulf %get3A_439, %get3A_448 : vector<16xf32>
        %mul3A_453 = arith.mulf %get3A_442, %get3A_445 : vector<16xf32>
        %sub3A_454 = arith.subf %mul3A_452, %mul3A_453 : vector<16xf32>
        %mul3A_455 = arith.mulf %add3A_451, %get3A_7 : vector<16xf32>
        %add3A_456 = arith.addf %add3A_432, %mul3A_455 : vector<16xf32>
        %mul3A_457 = arith.mulf %sub3A_454, %get3A_39 : vector<16xf32>
        %add3A_458 = arith.addf %add3A_456, %mul3A_457 : vector<16xf32>
        %mul3A_459 = arith.mulf %add3A_451, %get3A_71 : vector<16xf32>
        %add3A_460 = arith.addf %add3A_436, %mul3A_459 : vector<16xf32>
        %mul3A_461 = arith.mulf %sub3A_454, %get3A_103 : vector<16xf32>
        %add3A_462 = arith.addf %add3A_460, %mul3A_461 : vector<16xf32>
        %get3A_463 = arith.index_cast %scan3A_410 : i32 to index
        %get3A_464 = arith.constant 32 : index
        %get3A_465 = tpu.vector_load %arg15[%get3A_463, %get3A_464] {strides = array<i32>} : memref<128x128xf32, #tpu.memory_space<vmem>>, vector<16xf32>,
        %get3A_466 = arith.index_cast %scan3A_410 : i32 to index
        %get3A_467 = arith.constant 32 : index
        %get3A_468 = tpu.vector_load %arg16[%get3A_466, %get3A_467] {strides = array<i32>} : memref<128x128xf32, #tpu.memory_space<vmem>>, vector<16xf32>,
        %get3A_469 = arith.index_cast %scan3A_410 : i32 to index
        %get3A_470 = arith.constant 32 : index
        %get3A_471 = tpu.vector_load %arg17[%get3A_469, %get3A_470] {strides = array<i32>} : memref<128x128xf32, #tpu.memory_space<vmem>>, vector<16xf32>,
        %get3A_472 = arith.index_cast %scan3A_410 : i32 to index
        %get3A_473 = arith.constant 32 : index
        %get3A_474 = tpu.vector_load %arg18[%get3A_472, %get3A_473] {strides = array<i32>} : memref<128x128xf32, #tpu.memory_space<vmem>>, vector<16xf32>,
        %mul3A_475 = arith.mulf %get3A_465, %get3A_471 : vector<16xf32>
        %mul3A_476 = arith.mulf %get3A_468, %get3A_474 : vector<16xf32>
        %add3A_477 = arith.addf %mul3A_475, %mul3A_476 : vector<16xf32>
        %mul3A_478 = arith.mulf %get3A_465, %get3A_474 : vector<16xf32>
        %mul3A_479 = arith.mulf %get3A_468, %get3A_471 : vector<16xf32>
        %sub3A_480 = arith.subf %mul3A_478, %mul3A_479 : vector<16xf32>
        %mul3A_481 = arith.mulf %add3A_477, %get3A_11 : vector<16xf32>
        %add3A_482 = arith.addf %add3A_458, %mul3A_481 : vector<16xf32>
        %mul3A_483 = arith.mulf %sub3A_480, %get3A_43 : vector<16xf32>
        %add3A_484 = arith.addf %add3A_482, %mul3A_483 : vector<16xf32>
        %mul3A_485 = arith.mulf %add3A_477, %get3A_75 : vector<16xf32>
        %add3A_486 = arith.addf %add3A_462, %mul3A_485 : vector<16xf32>
        %mul3A_487 = arith.mulf %sub3A_480, %get3A_107 : vector<16xf32>
        %add3A_488 = arith.addf %add3A_486, %mul3A_487 : vector<16xf32>
        %get3A_489 = arith.index_cast %scan3A_410 : i32 to index
        %get3A_490 = arith.constant 48 : index
        %get3A_491 = tpu.vector_load %arg15[%get3A_489, %get3A_490] {strides = array<i32>} : memref<128x128xf32, #tpu.memory_space<vmem>>, vector<16xf32>,
        %get3A_492 = arith.index_cast %scan3A_410 : i32 to index
        %get3A_493 = arith.constant 48 : index
        %get3A_494 = tpu.vector_load %arg16[%get3A_492, %get3A_493] {strides = array<i32>} : memref<128x128xf32, #tpu.memory_space<vmem>>, vector<16xf32>,
        %get3A_495 = arith.index_cast %scan3A_410 : i32 to index
        %get3A_496 = arith.constant 48 : index
        %get3A_497 = tpu.vector_load %arg17[%get3A_495, %get3A_496] {strides = array<i32>} : memref<128x128xf32, #tpu.memory_space<vmem>>, vector<16xf32>,
        %get3A_498 = arith.index_cast %scan3A_410 : i32 to index
        %get3A_499 = arith.constant 48 : index
        %get3A_500 = tpu.vector_load %arg18[%get3A_498, %get3A_499] {strides = array<i32>} : memref<128x128xf32, #tpu.memory_space<vmem>>, vector<16xf32>,
        %mul3A_501 = arith.mulf %get3A_491, %get3A_497 : vector<16xf32>
        %mul3A_502 = arith.mulf %get3A_494, %get3A_500 : vector<16xf32>
        %add3A_503 = arith.addf %mul3A_501, %mul3A_502 : vector<16xf32>
        %mul3A_504 = arith.mulf %get3A_491, %get3A_500 : vector<16xf32>
        %mul3A_505 = arith.mulf %get3A_494, %get3A_497 : vector<16xf32>
        %sub3A_506 = arith.subf %mul3A_504, %mul3A_505 : vector<16xf32>
        %mul3A_507 = arith.mulf %add3A_503, %get3A_15 : vector<16xf32>
        %add3A_508 = arith.addf %add3A_484, %mul3A_507 : vector<16xf32>
        %mul3A_509 = arith.mulf %sub3A_506, %get3A_47 : vector<16xf32>
        %add3A_510 = arith.addf %add3A_508, %mul3A_509 : vector<16xf32>
        %mul3A_511 = arith.mulf %add3A_503, %get3A_79 : vector<16xf32>
        %add3A_512 = arith.addf %add3A_488, %mul3A_511 : vector<16xf32>
        %mul3A_513 = arith.mulf %sub3A_506, %get3A_111 : vector<16xf32>
        %add3A_514 = arith.addf %add3A_512, %mul3A_513 : vector<16xf32>
        %get3A_515 = arith.index_cast %scan3A_410 : i32 to index
        %get3A_516 = arith.constant 64 : index
        %get3A_517 = tpu.vector_load %arg15[%get3A_515, %get3A_516] {strides = array<i32>} : memref<128x128xf32, #tpu.memory_space<vmem>>, vector<16xf32>,
        %get3A_518 = arith.index_cast %scan3A_410 : i32 to index
        %get3A_519 = arith.constant 64 : index
        %get3A_520 = tpu.vector_load %arg16[%get3A_518, %get3A_519] {strides = array<i32>} : memref<128x128xf32, #tpu.memory_space<vmem>>, vector<16xf32>,
        %get3A_521 = arith.index_cast %scan3A_410 : i32 to index
        %get3A_522 = arith.constant 64 : index
        %get3A_523 = tpu.vector_load %arg17[%get3A_521, %get3A_522] {strides = array<i32>} : memref<128x128xf32, #tpu.memory_space<vmem>>, vector<16xf32>,
        %get3A_524 = arith.index_cast %scan3A_410 : i32 to index
        %get3A_525 = arith.constant 64 : index
        %get3A_526 = tpu.vector_load %arg18[%get3A_524, %get3A_525] {strides = array<i32>} : memref<128x128xf32, #tpu.memory_space<vmem>>, vector<16xf32>,
        %mul3A_527 = arith.mulf %get3A_517, %get3A_523 : vector<16xf32>
        %mul3A_528 = arith.mulf %get3A_520, %get3A_526 : vector<16xf32>
        %add3A_529 = arith.addf %mul3A_527, %mul3A_528 : vector<16xf32>
        %mul3A_530 = arith.mulf %get3A_517, %get3A_526 : vector<16xf32>
        %mul3A_531 = arith.mulf %get3A_520, %get3A_523 : vector<16xf32>
        %sub3A_532 = arith.subf %mul3A_530, %mul3A_531 : vector<16xf32>
        %mul3A_533 = arith.mulf %add3A_529, %get3A_19 : vector<16xf32>
        %add3A_534 = arith.addf %add3A_510, %mul3A_533 : vector<16xf32>
        %mul3A_535 = arith.mulf %sub3A_532, %get3A_51 : vector<16xf32>
        %add3A_536 = arith.addf %add3A_534, %mul3A_535 : vector<16xf32>
        %mul3A_537 = arith.mulf %add3A_529, %get3A_83 : vector<16xf32>
        %add3A_538 = arith.addf %add3A_514, %mul3A_537 : vector<16xf32>
        %mul3A_539 = arith.mulf %sub3A_532, %get3A_115 : vector<16xf32>
        %add3A_540 = arith.addf %add3A_538, %mul3A_539 : vector<16xf32>
        %get3A_541 = arith.index_cast %scan3A_410 : i32 to index
        %get3A_542 = arith.constant 80 : index
        %get3A_543 = tpu.vector_load %arg15[%get3A_541, %get3A_542] {strides = array<i32>} : memref<128x128xf32, #tpu.memory_space<vmem>>, vector<16xf32>,
        %get3A_544 = arith.index_cast %scan3A_410 : i32 to index
        %get3A_545 = arith.constant 80 : index
        %get3A_546 = tpu.vector_load %arg16[%get3A_544, %get3A_545] {strides = array<i32>} : memref<128x128xf32, #tpu.memory_space<vmem>>, vector<16xf32>,
        %get3A_547 = arith.index_cast %scan3A_410 : i32 to index
        %get3A_548 = arith.constant 80 : index
        %get3A_549 = tpu.vector_load %arg17[%get3A_547, %get3A_548] {strides = array<i32>} : memref<128x128xf32, #tpu.memory_space<vmem>>, vector<16xf32>,
        %get3A_550 = arith.index_cast %scan3A_410 : i32 to index
        %get3A_551 = arith.constant 80 : index
        %get3A_552 = tpu.vector_load %arg18[%get3A_550, %get3A_551] {strides = array<i32>} : memref<128x128xf32, #tpu.memory_space<vmem>>, vector<16xf32>,
        %mul3A_553 = arith.mulf %get3A_543, %get3A_549 : vector<16xf32>
        %mul3A_554 = arith.mulf %get3A_546, %get3A_552 : vector<16xf32>
        %add3A_555 = arith.addf %mul3A_553, %mul3A_554 : vector<16xf32>
        %mul3A_556 = arith.mulf %get3A_543, %get3A_552 : vector<16xf32>
        %mul3A_557 = arith.mulf %get3A_546, %get3A_549 : vector<16xf32>
        %sub3A_558 = arith.subf %mul3A_556, %mul3A_557 : vector<16xf32>
        %mul3A_559 = arith.mulf %add3A_555, %get3A_23 : vector<16xf32>
        %add3A_560 = arith.addf %add3A_536, %mul3A_559 : vector<16xf32>
        %mul3A_561 = arith.mulf %sub3A_558, %get3A_55 : vector<16xf32>
        %add3A_562 = arith.addf %add3A_560, %mul3A_561 : vector<16xf32>
        %mul3A_563 = arith.mulf %add3A_555, %get3A_87 : vector<16xf32>
        %add3A_564 = arith.addf %add3A_540, %mul3A_563 : vector<16xf32>
        %mul3A_565 = arith.mulf %sub3A_558, %get3A_119 : vector<16xf32>
        %add3A_566 = arith.addf %add3A_564, %mul3A_565 : vector<16xf32>
        %get3A_567 = arith.index_cast %scan3A_410 : i32 to index
        %get3A_568 = arith.constant 96 : index
        %get3A_569 = tpu.vector_load %arg15[%get3A_567, %get3A_568] {strides = array<i32>} : memref<128x128xf32, #tpu.memory_space<vmem>>, vector<16xf32>,
        %get3A_570 = arith.index_cast %scan3A_410 : i32 to index
        %get3A_571 = arith.constant 96 : index
        %get3A_572 = tpu.vector_load %arg16[%get3A_570, %get3A_571] {strides = array<i32>} : memref<128x128xf32, #tpu.memory_space<vmem>>, vector<16xf32>,
        %get3A_573 = arith.index_cast %scan3A_410 : i32 to index
        %get3A_574 = arith.constant 96 : index
        %get3A_575 = tpu.vector_load %arg17[%get3A_573, %get3A_574] {strides = array<i32>} : memref<128x128xf32, #tpu.memory_space<vmem>>, vector<16xf32>,
        %get3A_576 = arith.index_cast %scan3A_410 : i32 to index
        %get3A_577 = arith.constant 96 : index
        %get3A_578 = tpu.vector_load %arg18[%get3A_576, %get3A_577] {strides = array<i32>} : memref<128x128xf32, #tpu.memory_space<vmem>>, vector<16xf32>,
        %mul3A_579 = arith.mulf %get3A_569, %get3A_575 : vector<16xf32>
        %mul3A_580 = arith.mulf %get3A_572, %get3A_578 : vector<16xf32>
        %add3A_581 = arith.addf %mul3A_579, %mul3A_580 : vector<16xf32>
        %mul3A_582 = arith.mulf %get3A_569, %get3A_578 : vector<16xf32>
        %mul3A_583 = arith.mulf %get3A_572, %get3A_575 : vector<16xf32>
        %sub3A_584 = arith.subf %mul3A_582, %mul3A_583 : vector<16xf32>
        %mul3A_585 = arith.mulf %add3A_581, %get3A_27 : vector<16xf32>
        %add3A_586 = arith.addf %add3A_562, %mul3A_585 : vector<16xf32>
        %mul3A_587 = arith.mulf %sub3A_584, %get3A_59 : vector<16xf32>
        %add3A_588 = arith.addf %add3A_586, %mul3A_587 : vector<16xf32>
        %mul3A_589 = arith.mulf %add3A_581, %get3A_91 : vector<16xf32>
        %add3A_590 = arith.addf %add3A_566, %mul3A_589 : vector<16xf32>
        %mul3A_591 = arith.mulf %sub3A_584, %get3A_123 : vector<16xf32>
        %add3A_592 = arith.addf %add3A_590, %mul3A_591 : vector<16xf32>
        %get3A_593 = arith.index_cast %scan3A_410 : i32 to index
        %get3A_594 = arith.constant 112 : index
        %get3A_595 = tpu.vector_load %arg15[%get3A_593, %get3A_594] {strides = array<i32>} : memref<128x128xf32, #tpu.memory_space<vmem>>, vector<16xf32>,
        %get3A_596 = arith.index_cast %scan3A_410 : i32 to index
        %get3A_597 = arith.constant 112 : index
        %get3A_598 = tpu.vector_load %arg16[%get3A_596, %get3A_597] {strides = array<i32>} : memref<128x128xf32, #tpu.memory_space<vmem>>, vector<16xf32>,
        %get3A_599 = arith.index_cast %scan3A_410 : i32 to index
        %get3A_600 = arith.constant 112 : index
        %get3A_601 = tpu.vector_load %arg17[%get3A_599, %get3A_600] {strides = array<i32>} : memref<128x128xf32, #tpu.memory_space<vmem>>, vector<16xf32>,
        %get3A_602 = arith.index_cast %scan3A_410 : i32 to index
        %get3A_603 = arith.constant 112 : index
        %get3A_604 = tpu.vector_load %arg18[%get3A_602, %get3A_603] {strides = array<i32>} : memref<128x128xf32, #tpu.memory_space<vmem>>, vector<16xf32>,
        %mul3A_605 = arith.mulf %get3A_595, %get3A_601 : vector<16xf32>
        %mul3A_606 = arith.mulf %get3A_598, %get3A_604 : vector<16xf32>
        %add3A_607 = arith.addf %mul3A_605, %mul3A_606 : vector<16xf32>
        %mul3A_608 = arith.mulf %get3A_595, %get3A_604 : vector<16xf32>
        %mul3A_609 = arith.mulf %get3A_598, %get3A_601 : vector<16xf32>
        %sub3A_610 = arith.subf %mul3A_608, %mul3A_609 : vector<16xf32>
        %mul3A_611 = arith.mulf %add3A_607, %get3A_31 : vector<16xf32>
        %add3A_612 = arith.addf %add3A_588, %mul3A_611 : vector<16xf32>
        %mul3A_613 = arith.mulf %sub3A_610, %get3A_63 : vector<16xf32>
        %add3A_614 = arith.addf %add3A_612, %mul3A_613 : vector<16xf32>
        %mul3A_615 = arith.mulf %add3A_607, %get3A_95 : vector<16xf32>
        %add3A_616 = arith.addf %add3A_592, %mul3A_615 : vector<16xf32>
        %mul3A_617 = arith.mulf %sub3A_610, %get3A_127 : vector<16xf32>
        %add3A_618 = arith.addf %add3A_616, %mul3A_617 : vector<16xf32>
        %jit3A_619 = arith.constant 16 : i32
        %eq3A_620 = arith.constant 0 : i32
        %eq3A_621 = arith.cmpi eq, %jit3A_619, %eq3A_620 : i32
        %jit3A_622 = arith.constant 1 : i32
        %select_n3A_623 = arith.select %eq3A_621, %jit3A_622, %jit3A_619 : i32
        %rem3A_624 = arith.remsi %scan3A_410, %select_n3A_623 : i32
        %ne3A_625 = arith.constant 0 : i32
        %ne3A_626 = arith.cmpi ne, %rem3A_624, %ne3A_625 : i32
        %lt3A_627 = arith.constant 0 : i32
        %lt3A_628 = arith.cmpi slt, %rem3A_624, %lt3A_627 : i32
        %lt3A_629 = arith.constant 0 : i32
        %lt3A_630 = arith.cmpi slt, %select_n3A_623, %lt3A_629 : i32
        %ne3A_631 = arith.xori %lt3A_628, %lt3A_630 : i1
        %and3A_632 = arith.andi %ne3A_631, %ne3A_626 : i1
        %add3A_633 = arith.addi %rem3A_624, %select_n3A_623 : i32
        %select_n3A_634 = arith.select %and3A_632, %add3A_633, %rem3A_624 : i32
        %eq3A_635 = vector.broadcast %select_n3A_634 : i32 to vector<16xi32>
        %eq3A_636 = arith.cmpi eq, %iota3A, %eq3A_635 : vector<16xi32>
        %reduce_sum3A_637 = arith.constant true
        %reduce_sum3A_638 = vector.broadcast %reduce_sum3A_637 : i1 to vector<16xi1>
        %reduce_sum3A_639 = tpu.scan <sum>, %add3A_614 masked %reduce_sum3A_638 : vector<16xf32>, vector<16xi1> -> vector<16xf32>
        %reduce_sum3A_640 = vector.extract %reduce_sum3A_639[15] : f32 from vector<16xf32>
        %broadcast_in_dim3A_641 = vector.broadcast %reduce_sum3A_640 : f32 to vector<16xf32>
        %select_n3A_642 = arith.select %eq3A_636, %broadcast_in_dim3A_641, %select_n3A_407 : vector<16xi1>, vector<16xf32>
        %eq3A_643 = vector.broadcast %select_n3A_634 : i32 to vector<16xi32>
        %eq3A_644 = arith.cmpi eq, %iota3A, %eq3A_643 : vector<16xi32>
        %reduce_sum3A_645 = arith.constant true
        %reduce_sum3A_646 = vector.broadcast %reduce_sum3A_645 : i1 to vector<16xi1>
        %reduce_sum3A_647 = tpu.scan <sum>, %add3A_618 masked %reduce_sum3A_646 : vector<16xf32>, vector<16xi1> -> vector<16xf32>
        %reduce_sum3A_648 = vector.extract %reduce_sum3A_647[15] : f32 from vector<16xf32>
        %broadcast_in_dim3A_649 = vector.broadcast %reduce_sum3A_648 : f32 to vector<16xf32>
        %select_n3A_650 = arith.select %eq3A_644, %broadcast_in_dim3A_649, %select_n3A_408 : vector<16xi1>, vector<16xf32>
        %eq3A_651 = arith.constant 15 : i32
        %eq3A_652 = arith.cmpi eq, %select_n3A_634, %eq3A_651 : i32
        %convert_element_type3A_653 = arith.extui %eq3A_652 : i1 to i32
        %cond3A_654 = arith.constant 0 : i32
        %cond3A_655 = arith.cmpi ne, %convert_element_type3A_653, %cond3A_654 : i32
        scf.if %cond3A_655 {
          %sub3A_660 = arith.constant 15 : i32
          %sub3A_661 = arith.subi %scan3A_410, %sub3A_660 : i32
          %multiple_of3A_662 = tpu.assume_multiple %sub3A_661, 16 : i32
          %get3A_663 = arith.index_cast %multiple_of3A_662 : i32 to index
          %get3A_664 = tpu.vector_load %arg14[%get3A_663] {strides = array<i32>} : memref<128xi32, #tpu.memory_space<vmem>>, vector<16xi32>,
          %eq3A_665 = arith.constant 0 : i32
          %eq3A_666 = vector.broadcast %eq3A_665 : i32 to vector<16xi32>
          %eq3A_667 = arith.cmpi eq, %get3A_664, %eq3A_666 : vector<16xi32>
          %select_n3A_668 = arith.select %eq3A_667, %select_n3A_642, %select_n3A_650 : vector<16xi1>, vector<16xf32>
          %swap3A = arith.index_cast %multiple_of3A_662 : i32 to index
          %swap3A_669 = tpu.vector_load %arg19[%swap3A] {strides = array<i32>} : memref<128xf32, #tpu.memory_space<vmem>>, vector<16xf32>,
          tpu.vector_store %arg19[%swap3A], %select_n3A_668 {strides = array<i32>} : memref<128xf32, #tpu.memory_space<vmem>>, vector<16xf32>,
        } else {
        }
        %eq3A_656 = arith.constant 15 : i32
        %eq3A_657 = arith.cmpi eq, %select_n3A_634, %eq3A_656 : i32
        %select_n3A_658 = arith.select %eq3A_657, %broadcast_in_dim3A_128, %select_n3A_642 : vector<16xf32>
        %select_n3A_659 = arith.select %eq3A_657, %broadcast_in_dim3A_128, %select_n3A_650 : vector<16xf32>
        scf.yield %select_n3A_658, %select_n3A_659 : vector<16xf32>, vector<16xf32>
      }
      %scan3A_167 = arith.constant 128 : i32
      "tpu.region"() ({
        %run_scoped3A = tpu.sem_alloc : memref<!tpu.dma_semaphore, #tpu.memory_space<semaphore_mem>>
        %dma_start3A_168 = tpu.memref_slice %arg11[%multiple_of3A] : memref<16384xf32, #tpu.memory_space<hbm>> -> memref<128xf32, #tpu.memory_space<hbm>>
        %dma_start3A_169 = tpu.memref_slice %arg11[%multiple_of3A] : memref<16384xf32, #tpu.memory_space<hbm>> -> memref<128xf32, #tpu.memory_space<hbm>>
        tpu.enqueue_dma source(%arg19 : memref<128xf32, #tpu.memory_space<vmem>>) target(%dma_start3A_169 : memref<128xf32, #tpu.memory_space<hbm>>) target_semaphore(%run_scoped3A : memref<!tpu.dma_semaphore, #tpu.memory_space<semaphore_mem>>)
        %dma_wait3A_170 = tpu.memref_slice %arg11[%multiple_of3A] : memref<16384xf32, #tpu.memory_space<hbm>> -> memref<128xf32, #tpu.memory_space<hbm>>
        %dma_wait3A_171 = tpu.memref_slice %arg11[%multiple_of3A] : memref<16384xf32, #tpu.memory_space<hbm>> -> memref<128xf32, #tpu.memory_space<hbm>>
        tpu.wait_dma2 semaphore(%run_scoped3A : memref<!tpu.dma_semaphore, #tpu.memory_space<semaphore_mem>>) src(%arg19 : memref<128xf32, #tpu.memory_space<vmem>>) dst(%dma_wait3A_171 : memref<128xf32, #tpu.memory_space<hbm>>)
        tpu.yield
      }) : () -> ()
    }
    %scan3A_133 = arith.constant 4 : i32
    return
  }
}

module attributes {stable_mosaic.version = 14 : i64} {
  func.func @_combine_body(%arg0: memref<128x128xf32, #tpu.memory_space<vmem>>, %arg1: memref<128x128xi32, #tpu.memory_space<vmem>>, %arg2: memref<2x128xf32, #tpu.memory_space<vmem>>, %arg3: memref<128x128xf32, #tpu.memory_space<vmem>>) attributes {dimension_semantics = [], scalar_prefetch = 0 : i64, scratch_operands = 0 : i64, tpu.core_type = #tpu.core_type<tc>} {
    %get3A = arith.constant 0 : index
    %get3A_0 = arith.constant 0 : index
    %get3A_1 = vector.load %arg0[%get3A, %get3A_0] : memref<128x128xf32, #tpu.memory_space<vmem>>, vector<128x128xf32>
    %get3A_2 = arith.constant 0 : index
    %get3A_3 = arith.constant 0 : index
    %get3A_4 = vector.load %arg1[%get3A_2, %get3A_3] : memref<128x128xi32, #tpu.memory_space<vmem>>, vector<128x128xi32>
    %eq3A = arith.constant 0 : i32
    %eq3A_5 = vector.broadcast %eq3A : i32 to vector<128x128xi32>
    %eq3A_6 = arith.cmpi eq, %get3A_4, %eq3A_5 : vector<128x128xi32>
    %get3A_7 = arith.constant 0 : index
    %get3A_8 = arith.constant 0 : index
    %get3A_9 = vector.load %arg2[%get3A_7, %get3A_8] : memref<2x128xf32, #tpu.memory_space<vmem>>, vector<1x1xf32>
    %get3A_10 = vector.extract %get3A_9[0, 0] : f32 from vector<1x1xf32>
    %get3A_11 = arith.constant 1 : index
    %get3A_12 = arith.constant 0 : index
    %get3A_13 = vector.load %arg2[%get3A_11, %get3A_12] : memref<2x128xf32, #tpu.memory_space<vmem>>, vector<1x1xf32>
    %get3A_14 = vector.extract %get3A_13[0, 0] : f32 from vector<1x1xf32>
    %broadcast_in_dim3A = vector.broadcast %get3A_10 : f32 to vector<128x128xf32>
    %broadcast_in_dim3A_15 = vector.broadcast %get3A_14 : f32 to vector<128x128xf32>
    %select_n3A = arith.select %eq3A_6, %broadcast_in_dim3A, %broadcast_in_dim3A_15 : vector<128x128xi1>, vector<128x128xf32>
    %mul3A = arith.mulf %get3A_1, %get3A_1 : vector<128x128xf32>
    %add3A = arith.constant 1.000000e-10 : f32
    %add3A_16 = vector.broadcast %add3A : f32 to vector<128x128xf32>
    %add3A_17 = arith.addf %mul3A, %add3A_16 : vector<128x128xf32>
    %log3A = math.log %add3A_17 : vector<128x128xf32>
    %sub3A = arith.subf %log3A, %select_n3A : vector<128x128xf32>
    %swap3A = arith.constant 0 : index
    %swap3A_18 = arith.constant 0 : index
    %swap3A_19 = vector.load %arg3[%swap3A, %swap3A_18] : memref<128x128xf32, #tpu.memory_space<vmem>>, vector<128x128xf32>
    tpu.vector_store %arg3[%swap3A, %swap3A_18], %sub3A {strides = array<i32>} : memref<128x128xf32, #tpu.memory_space<vmem>>, vector<128x128xf32>,
    return
  }
}

module attributes {stable_mosaic.version = 14 : i64} {
  func.func @_gram_body(%arg0: i32, %arg1: memref<5000x128xf32, #tpu.memory_space<vmem>>, %arg2: memref<5000x128xf32, #tpu.memory_space<vmem>>, %arg3: memref<5000x128xf32, #tpu.memory_space<vmem>>, %arg4: memref<5000x128xf32, #tpu.memory_space<vmem>>, %arg5: memref<2x128xf32, #tpu.memory_space<vmem>>, %arg6: memref<2x128xf32, #tpu.memory_space<vmem>>, %arg7: memref<2x128xf32, #tpu.memory_space<vmem>>, %arg8: memref<256x256xf32, #tpu.memory_space<vmem>>, %arg9: memref<256x256xf32, #tpu.memory_space<vmem>>) attributes {dimension_semantics = [#tpu.dimension_semantics<arbitrary>], iteration_bounds = array<i64: 20>, scalar_prefetch = 0 : i64, scratch_operands = 2 : i64, tpu.core_type = #tpu.core_type<tc>, window_params = [{transform_indices = @transform_0, window_bounds = array<i64: 5000, 128>}, {transform_indices = @transform_1, window_bounds = array<i64: 5000, 128>}, {transform_indices = @transform_2, window_bounds = array<i64: 5000, 128>}, {transform_indices = @transform_3, window_bounds = array<i64: 5000, 128>}, {pipeline_mode = #tpu.pipeline_mode<synchronous>, transform_indices = @transform_4, window_bounds = array<i64: 2, 128>}, {pipeline_mode = #tpu.pipeline_mode<synchronous>, transform_indices = @transform_5, window_bounds = array<i64: 2, 128>}, {pipeline_mode = #tpu.pipeline_mode<synchronous>, transform_indices = @transform_6, window_bounds = array<i64: 2, 128>}]} {
    %eq3A = arith.constant 0 : i32
    %eq3A_0 = arith.cmpi eq, %arg0, %eq3A : i32
    %convert_element_type3A = arith.extui %eq3A_0 : i1 to i32
    %cond3A = arith.constant 0 : i32
    %cond3A_1 = arith.cmpi ne, %convert_element_type3A, %cond3A : i32
    scf.if %cond3A_1 {
      %broadcast_in_dim3A = arith.constant 0.000000e+00 : f32
      %broadcast_in_dim3A_36 = vector.broadcast %broadcast_in_dim3A : f32 to vector<256x256xf32>
      %swap3A_37 = arith.constant 0 : index
      %swap3A_38 = arith.constant 0 : index
      %swap3A_39 = vector.load %arg8[%swap3A_37, %swap3A_38] : memref<256x256xf32, #tpu.memory_space<vmem>>, vector<256x256xf32>
      tpu.vector_store %arg8[%swap3A_37, %swap3A_38], %broadcast_in_dim3A_36 {strides = array<i32>} : memref<256x256xf32, #tpu.memory_space<vmem>>, vector<256x256xf32>,
      %broadcast_in_dim3A_40 = arith.constant 0.000000e+00 : f32
      %broadcast_in_dim3A_41 = vector.broadcast %broadcast_in_dim3A_40 : f32 to vector<256x256xf32>
      %swap3A_42 = arith.constant 0 : index
      %swap3A_43 = arith.constant 0 : index
      %swap3A_44 = vector.load %arg9[%swap3A_42, %swap3A_43] : memref<256x256xf32, #tpu.memory_space<vmem>>, vector<256x256xf32>
      tpu.vector_store %arg9[%swap3A_42, %swap3A_43], %broadcast_in_dim3A_41 {strides = array<i32>} : memref<256x256xf32, #tpu.memory_space<vmem>>, vector<256x256xf32>,
    } else {
    }
    %get3A = arith.constant 0 : index
    %get3A_2 = arith.constant 0 : index
    %get3A_3 = vector.load %arg1[%get3A, %get3A_2] : memref<5000x128xf32, #tpu.memory_space<vmem>>, vector<5000x128xf32>
    %get3A_4 = arith.constant 0 : index
    %get3A_5 = arith.constant 0 : index
    %get3A_6 = vector.load %arg2[%get3A_4, %get3A_5] : memref<5000x128xf32, #tpu.memory_space<vmem>>, vector<5000x128xf32>
    %concatenate3A = tpu.concatenate %get3A_3, %get3A_6 in 1 : vector<5000x128xf32>, vector<5000x128xf32> -> vector<5000x256xf32>
    %convert_element_type3A_7 = arith.truncf %concatenate3A : vector<5000x256xf32> to vector<5000x256xbf16>
    %get3A_8 = arith.constant 0 : index
    %get3A_9 = arith.constant 0 : index
    %get3A_10 = vector.load %arg3[%get3A_8, %get3A_9] : memref<5000x128xf32, #tpu.memory_space<vmem>>, vector<5000x128xf32>
    %get3A_11 = arith.constant 0 : index
    %get3A_12 = arith.constant 0 : index
    %get3A_13 = vector.load %arg4[%get3A_11, %get3A_12] : memref<5000x128xf32, #tpu.memory_space<vmem>>, vector<5000x128xf32>
    %concatenate3A_14 = tpu.concatenate %get3A_10, %get3A_13 in 1 : vector<5000x128xf32>, vector<5000x128xf32> -> vector<5000x256xf32>
    %convert_element_type3A_15 = arith.truncf %concatenate3A_14 : vector<5000x256xf32> to vector<5000x256xbf16>
    %get3A_16 = arith.constant 0 : index
    %get3A_17 = arith.constant 0 : index
    %get3A_18 = vector.load %arg8[%get3A_16, %get3A_17] : memref<256x256xf32, #tpu.memory_space<vmem>>, vector<256x256xf32>
    %dot_general3A = arith.constant dense<0.000000e+00> : vector<256x256xf32>
    %dot_general3A_19 = tpu.matmul %convert_element_type3A_7, %convert_element_type3A_7, %dot_general3A {dimension_numbers = #tpu.dot_dimension_numbers<[0], [0], [1], [1], [0, 1, 1, 1], [], []>, transpose_lhs_hint = false} : vector<5000x256xbf16>, vector<5000x256xbf16>, vector<256x256xf32> -> vector<256x256xf32>
    %add3A = arith.addf %get3A_18, %dot_general3A_19 : vector<256x256xf32>
    %swap3A = arith.constant 0 : index
    %swap3A_20 = arith.constant 0 : index
    %swap3A_21 = vector.load %arg8[%swap3A, %swap3A_20] : memref<256x256xf32, #tpu.memory_space<vmem>>, vector<256x256xf32>
    tpu.vector_store %arg8[%swap3A, %swap3A_20], %add3A {strides = array<i32>} : memref<256x256xf32, #tpu.memory_space<vmem>>, vector<256x256xf32>,
    %get3A_22 = arith.constant 0 : index
    %get3A_23 = arith.constant 0 : index
    %get3A_24 = vector.load %arg9[%get3A_22, %get3A_23] : memref<256x256xf32, #tpu.memory_space<vmem>>, vector<256x256xf32>
    %dot_general3A_25 = arith.constant dense<0.000000e+00> : vector<256x256xf32>
    %dot_general3A_26 = tpu.matmul %convert_element_type3A_15, %convert_element_type3A_15, %dot_general3A_25 {dimension_numbers = #tpu.dot_dimension_numbers<[0], [0], [1], [1], [0, 1, 1, 1], [], []>, transpose_lhs_hint = false} : vector<5000x256xbf16>, vector<5000x256xbf16>, vector<256x256xf32> -> vector<256x256xf32>
    %add3A_27 = arith.addf %get3A_24, %dot_general3A_26 : vector<256x256xf32>
    %swap3A_28 = arith.constant 0 : index
    %swap3A_29 = arith.constant 0 : index
    %swap3A_30 = vector.load %arg9[%swap3A_28, %swap3A_29] : memref<256x256xf32, #tpu.memory_space<vmem>>, vector<256x256xf32>
    tpu.vector_store %arg9[%swap3A_28, %swap3A_29], %add3A_27 {strides = array<i32>} : memref<256x256xf32, #tpu.memory_space<vmem>>, vector<256x256xf32>,
    %eq3A_31 = arith.constant 19 : i32
    %eq3A_32 = arith.cmpi eq, %arg0, %eq3A_31 : i32
    %convert_element_type3A_33 = arith.extui %eq3A_32 : i1 to i32
    %cond3A_34 = arith.constant 0 : i32
    %cond3A_35 = arith.cmpi ne, %convert_element_type3A_33, %cond3A_34 : i32
    scf.if %cond3A_35 {
      %get3A_36 = arith.constant 0 : index
      %get3A_37 = arith.constant 0 : index
      %get3A_38 = vector.load %arg8[%get3A_36, %get3A_37] : memref<256x256xf32, #tpu.memory_space<vmem>>, vector<256x256xf32>
      %get3A_39 = arith.constant 0 : index
      %get3A_40 = arith.constant 0 : index
      %get3A_41 = vector.load %arg9[%get3A_39, %get3A_40] : memref<256x256xf32, #tpu.memory_space<vmem>>, vector<256x256xf32>
      %slice3A = vector.extract_strided_slice %get3A_38 {offsets = [0, 0], sizes = [128, 128], strides = [1, 1]} : vector<256x256xf32> to vector<128x128xf32>
      %slice3A_42 = vector.extract_strided_slice %get3A_38 {offsets = [0, 128], sizes = [128, 128], strides = [1, 1]} : vector<256x256xf32> to vector<128x128xf32>
      %slice3A_43 = vector.extract_strided_slice %get3A_38 {offsets = [128, 0], sizes = [128, 128], strides = [1, 1]} : vector<256x256xf32> to vector<128x128xf32>
      %slice3A_44 = vector.extract_strided_slice %get3A_38 {offsets = [128, 128], sizes = [128, 128], strides = [1, 1]} : vector<256x256xf32> to vector<128x128xf32>
      %slice3A_45 = vector.extract_strided_slice %get3A_41 {offsets = [0, 0], sizes = [128, 128], strides = [1, 1]} : vector<256x256xf32> to vector<128x128xf32>
      %slice3A_46 = vector.extract_strided_slice %get3A_41 {offsets = [0, 128], sizes = [128, 128], strides = [1, 1]} : vector<256x256xf32> to vector<128x128xf32>
      %slice3A_47 = vector.extract_strided_slice %get3A_41 {offsets = [128, 128], sizes = [128, 128], strides = [1, 1]} : vector<256x256xf32> to vector<128x128xf32>
      %mul3A = arith.mulf %slice3A, %slice3A_45 : vector<128x128xf32>
      %mul3A_48 = arith.mulf %slice3A_44, %slice3A_47 : vector<128x128xf32>
      %add3A_49 = arith.addf %mul3A, %mul3A_48 : vector<128x128xf32>
      %mul3A_50 = arith.constant 2.000000e+00 : f32
      %mul3A_51 = vector.broadcast %mul3A_50 : f32 to vector<128x128xf32>
      %mul3A_52 = arith.mulf %mul3A_51, %slice3A_42 : vector<128x128xf32>
      %mul3A_53 = arith.mulf %mul3A_52, %slice3A_46 : vector<128x128xf32>
      %add3A_54 = arith.addf %add3A_49, %mul3A_53 : vector<128x128xf32>
      %mul3A_55 = arith.mulf %slice3A, %slice3A_47 : vector<128x128xf32>
      %mul3A_56 = arith.mulf %slice3A_44, %slice3A_45 : vector<128x128xf32>
      %add3A_57 = arith.addf %mul3A_55, %mul3A_56 : vector<128x128xf32>
      %mul3A_58 = arith.constant 2.000000e+00 : f32
      %mul3A_59 = vector.broadcast %mul3A_58 : f32 to vector<128x128xf32>
      %mul3A_60 = arith.mulf %mul3A_59, %slice3A_43 : vector<128x128xf32>
      %mul3A_61 = arith.mulf %mul3A_60, %slice3A_46 : vector<128x128xf32>
      %sub3A = arith.subf %add3A_57, %mul3A_61 : vector<128x128xf32>
      %mul3A_62 = arith.mulf %slice3A, %slice3A_46 : vector<128x128xf32>
      %mul3A_63 = arith.mulf %slice3A_42, %slice3A_45 : vector<128x128xf32>
      %sub3A_64 = arith.subf %mul3A_62, %mul3A_63 : vector<128x128xf32>
      %mul3A_65 = arith.constant 2.000000e+00 : f32
      %mul3A_66 = vector.broadcast %mul3A_65 : f32 to vector<128x128xf32>
      %mul3A_67 = arith.mulf %mul3A_66, %sub3A_64 : vector<128x128xf32>
      %mul3A_68 = arith.mulf %slice3A_42, %slice3A_47 : vector<128x128xf32>
      %mul3A_69 = arith.mulf %slice3A_44, %slice3A_46 : vector<128x128xf32>
      %sub3A_70 = arith.subf %mul3A_68, %mul3A_69 : vector<128x128xf32>
      %mul3A_71 = arith.constant 2.000000e+00 : f32
      %mul3A_72 = vector.broadcast %mul3A_71 : f32 to vector<128x128xf32>
      %mul3A_73 = arith.mulf %mul3A_72, %sub3A_70 : vector<128x128xf32>
      %get3A_74 = arith.constant 0 : index
      %get3A_75 = arith.constant 0 : index
      %get3A_76 = vector.load %arg5[%get3A_74, %get3A_75] : memref<2x128xf32, #tpu.memory_space<vmem>>, vector<1x128xf32>
      %get3A_77 = vector.shape_cast %get3A_76 : vector<1x128xf32> to vector<128xf32>
      %get3A_78 = arith.constant 0 : index
      %get3A_79 = arith.constant 0 : index
      %get3A_80 = vector.load %arg6[%get3A_78, %get3A_79] : memref<2x128xf32, #tpu.memory_space<vmem>>, vector<1x128xf32>
      %get3A_81 = vector.shape_cast %get3A_80 : vector<1x128xf32> to vector<128xf32>
      %broadcast_in_dim3A = vector.shape_cast %get3A_77 : vector<128xf32> to vector<128x1xf32>
      %broadcast_in_dim3A_82 = vector.shape_cast %get3A_77 : vector<128xf32> to vector<1x128xf32>
      %mul3A_83 = vector.broadcast %broadcast_in_dim3A : vector<128x1xf32> to vector<128x128xf32>
      %mul3A_84 = vector.broadcast %broadcast_in_dim3A_82 : vector<1x128xf32> to vector<128x128xf32>
      %mul3A_85 = arith.mulf %mul3A_83, %mul3A_84 : vector<128x128xf32>
      %broadcast_in_dim3A_86 = vector.shape_cast %get3A_81 : vector<128xf32> to vector<128x1xf32>
      %broadcast_in_dim3A_87 = vector.shape_cast %get3A_81 : vector<128xf32> to vector<1x128xf32>
      %mul3A_88 = vector.broadcast %broadcast_in_dim3A_86 : vector<128x1xf32> to vector<128x128xf32>
      %mul3A_89 = vector.broadcast %broadcast_in_dim3A_87 : vector<1x128xf32> to vector<128x128xf32>
      %mul3A_90 = arith.mulf %mul3A_88, %mul3A_89 : vector<128x128xf32>
      %broadcast_in_dim3A_91 = vector.shape_cast %get3A_77 : vector<128xf32> to vector<128x1xf32>
      %broadcast_in_dim3A_92 = vector.shape_cast %get3A_81 : vector<128xf32> to vector<1x128xf32>
      %mul3A_93 = vector.broadcast %broadcast_in_dim3A_91 : vector<128x1xf32> to vector<128x128xf32>
      %mul3A_94 = vector.broadcast %broadcast_in_dim3A_92 : vector<1x128xf32> to vector<128x128xf32>
      %mul3A_95 = arith.mulf %mul3A_93, %mul3A_94 : vector<128x128xf32>
      %broadcast_in_dim3A_96 = vector.shape_cast %get3A_81 : vector<128xf32> to vector<128x1xf32>
      %broadcast_in_dim3A_97 = vector.shape_cast %get3A_77 : vector<128xf32> to vector<1x128xf32>
      %mul3A_98 = vector.broadcast %broadcast_in_dim3A_96 : vector<128x1xf32> to vector<128x128xf32>
      %mul3A_99 = vector.broadcast %broadcast_in_dim3A_97 : vector<1x128xf32> to vector<128x128xf32>
      %mul3A_100 = arith.mulf %mul3A_98, %mul3A_99 : vector<128x128xf32>
      %mul3A_101 = arith.mulf %mul3A_85, %add3A_54 : vector<128x128xf32>
      %mul3A_102 = arith.mulf %mul3A_90, %sub3A : vector<128x128xf32>
      %add3A_103 = arith.addf %mul3A_101, %mul3A_102 : vector<128x128xf32>
      %mul3A_104 = arith.mulf %mul3A_95, %mul3A_67 : vector<128x128xf32>
      %add3A_105 = arith.addf %add3A_103, %mul3A_104 : vector<128x128xf32>
      %mul3A_106 = arith.mulf %mul3A_100, %mul3A_73 : vector<128x128xf32>
      %add3A_107 = arith.addf %add3A_105, %mul3A_106 : vector<128x128xf32>
      %reduce_sum3A = vector.shape_cast %add3A_107 : vector<128x128xf32> to vector<1x128x128xf32>
      %reduce_sum3A_108 = arith.constant dense<0.000000e+00> : vector<1xf32>
      %reduce_sum3A_109 = vector.multi_reduction <add>, %reduce_sum3A, %reduce_sum3A_108 [1, 2] : vector<1x128x128xf32> to vector<1xf32>
      %reduce_sum3A_110 = vector.shape_cast %reduce_sum3A_109 : vector<1xf32> to vector<1x1x1xf32>
      %reduce_sum3A_111 = vector.extract %reduce_sum3A_110[0, 0, 0] : f32 from vector<1x1x1xf32>
      %log1p3A = math.log1p %reduce_sum3A_111 : f32
      %broadcast_in_dim3A_112 = vector.broadcast %log1p3A : f32 to vector<1x128xf32>
      %get3A_113 = arith.constant 1 : index
      %get3A_114 = arith.constant 0 : index
      %get3A_115 = vector.load %arg5[%get3A_113, %get3A_114] : memref<2x128xf32, #tpu.memory_space<vmem>>, vector<1x128xf32>
      %get3A_116 = vector.shape_cast %get3A_115 : vector<1x128xf32> to vector<128xf32>
      %get3A_117 = arith.constant 1 : index
      %get3A_118 = arith.constant 0 : index
      %get3A_119 = vector.load %arg6[%get3A_117, %get3A_118] : memref<2x128xf32, #tpu.memory_space<vmem>>, vector<1x128xf32>
      %get3A_120 = vector.shape_cast %get3A_119 : vector<1x128xf32> to vector<128xf32>
      %broadcast_in_dim3A_121 = vector.shape_cast %get3A_116 : vector<128xf32> to vector<128x1xf32>
      %broadcast_in_dim3A_122 = vector.shape_cast %get3A_116 : vector<128xf32> to vector<1x128xf32>
      %mul3A_123 = vector.broadcast %broadcast_in_dim3A_121 : vector<128x1xf32> to vector<128x128xf32>
      %mul3A_124 = vector.broadcast %broadcast_in_dim3A_122 : vector<1x128xf32> to vector<128x128xf32>
      %mul3A_125 = arith.mulf %mul3A_123, %mul3A_124 : vector<128x128xf32>
      %broadcast_in_dim3A_126 = vector.shape_cast %get3A_120 : vector<128xf32> to vector<128x1xf32>
      %broadcast_in_dim3A_127 = vector.shape_cast %get3A_120 : vector<128xf32> to vector<1x128xf32>
      %mul3A_128 = vector.broadcast %broadcast_in_dim3A_126 : vector<128x1xf32> to vector<128x128xf32>
      %mul3A_129 = vector.broadcast %broadcast_in_dim3A_127 : vector<1x128xf32> to vector<128x128xf32>
      %mul3A_130 = arith.mulf %mul3A_128, %mul3A_129 : vector<128x128xf32>
      %broadcast_in_dim3A_131 = vector.shape_cast %get3A_116 : vector<128xf32> to vector<128x1xf32>
      %broadcast_in_dim3A_132 = vector.shape_cast %get3A_120 : vector<128xf32> to vector<1x128xf32>
      %mul3A_133 = vector.broadcast %broadcast_in_dim3A_131 : vector<128x1xf32> to vector<128x128xf32>
      %mul3A_134 = vector.broadcast %broadcast_in_dim3A_132 : vector<1x128xf32> to vector<128x128xf32>
      %mul3A_135 = arith.mulf %mul3A_133, %mul3A_134 : vector<128x128xf32>
      %broadcast_in_dim3A_136 = vector.shape_cast %get3A_120 : vector<128xf32> to vector<128x1xf32>
      %broadcast_in_dim3A_137 = vector.shape_cast %get3A_116 : vector<128xf32> to vector<1x128xf32>
      %mul3A_138 = vector.broadcast %broadcast_in_dim3A_136 : vector<128x1xf32> to vector<128x128xf32>
      %mul3A_139 = vector.broadcast %broadcast_in_dim3A_137 : vector<1x128xf32> to vector<128x128xf32>
      %mul3A_140 = arith.mulf %mul3A_138, %mul3A_139 : vector<128x128xf32>
      %mul3A_141 = arith.mulf %mul3A_125, %add3A_54 : vector<128x128xf32>
      %mul3A_142 = arith.mulf %mul3A_130, %sub3A : vector<128x128xf32>
      %add3A_143 = arith.addf %mul3A_141, %mul3A_142 : vector<128x128xf32>
      %mul3A_144 = arith.mulf %mul3A_135, %mul3A_67 : vector<128x128xf32>
      %add3A_145 = arith.addf %add3A_143, %mul3A_144 : vector<128x128xf32>
      %mul3A_146 = arith.mulf %mul3A_140, %mul3A_73 : vector<128x128xf32>
      %add3A_147 = arith.addf %add3A_145, %mul3A_146 : vector<128x128xf32>
      %reduce_sum3A_148 = vector.shape_cast %add3A_147 : vector<128x128xf32> to vector<1x128x128xf32>
      %reduce_sum3A_149 = arith.constant dense<0.000000e+00> : vector<1xf32>
      %reduce_sum3A_150 = vector.multi_reduction <add>, %reduce_sum3A_148, %reduce_sum3A_149 [1, 2] : vector<1x128x128xf32> to vector<1xf32>
      %reduce_sum3A_151 = vector.shape_cast %reduce_sum3A_150 : vector<1xf32> to vector<1x1x1xf32>
      %reduce_sum3A_152 = vector.extract %reduce_sum3A_151[0, 0, 0] : f32 from vector<1x1x1xf32>
      %log1p3A_153 = math.log1p %reduce_sum3A_152 : f32
      %broadcast_in_dim3A_154 = vector.broadcast %log1p3A_153 : f32 to vector<1x128xf32>
      %concatenate3A_155 = tpu.concatenate %broadcast_in_dim3A_112, %broadcast_in_dim3A_154 in 0 : vector<1x128xf32>, vector<1x128xf32> -> vector<2x128xf32>
      %swap3A_156 = arith.constant 0 : index
      %swap3A_157 = arith.constant 0 : index
      %swap3A_158 = vector.load %arg7[%swap3A_156, %swap3A_157] : memref<2x128xf32, #tpu.memory_space<vmem>>, vector<2x128xf32>
      tpu.vector_store %arg7[%swap3A_156, %swap3A_157], %concatenate3A_155 {strides = array<i32>} : memref<2x128xf32, #tpu.memory_space<vmem>>, vector<2x128xf32>,
    } else {
    }
    return
  }
  func.func @transform_0(%arg0: i32) -> (i32, i32) {
    %c0_i32 = arith.constant 0 : i32
    %c0_i32_0 = arith.constant 0 : i32
    return %arg0, %c0_i32 : i32, i32
  }
  func.func @transform_1(%arg0: i32) -> (i32, i32) {
    %c0_i32 = arith.constant 0 : i32
    %c0_i32_0 = arith.constant 0 : i32
    return %arg0, %c0_i32 : i32, i32
  }
  func.func @transform_2(%arg0: i32) -> (i32, i32) {
    %c0_i32 = arith.constant 0 : i32
    %c0_i32_0 = arith.constant 0 : i32
    return %arg0, %c0_i32 : i32, i32
  }
  func.func @transform_3(%arg0: i32) -> (i32, i32) {
    %c0_i32 = arith.constant 0 : i32
    %c0_i32_0 = arith.constant 0 : i32
    return %arg0, %c0_i32 : i32, i32
  }
  func.func @transform_4(%arg0: i32) -> (i32, i32) {
    %c0_i32 = arith.constant 0 : i32
    %c0_i32_0 = arith.constant 0 : i32
    %c0_i32_1 = arith.constant 0 : i32
    return %c0_i32, %c0_i32_0 : i32, i32
  }
  func.func @transform_5(%arg0: i32) -> (i32, i32) {
    %c0_i32 = arith.constant 0 : i32
    %c0_i32_0 = arith.constant 0 : i32
    %c0_i32_1 = arith.constant 0 : i32
    return %c0_i32, %c0_i32_0 : i32, i32
  }
  func.func @transform_6(%arg0: i32) -> (i32, i32) {
    %c0_i32 = arith.constant 0 : i32
    %c0_i32_0 = arith.constant 0 : i32
    %c0_i32_1 = arith.constant 0 : i32
    return %c0_i32, %c0_i32_0 : i32, i32
  }
}

</mosaic_0001>

<sc_bundles>
// kernel: kernel.5.cloned.1.call-start
scs
__scs_entry_jumppad:
0x0: {  	(pc) =	sbr.rel $0x88, $3  }
0x1: {  	(tag) =	ssettag $0x0;
	lr =	simm.s32 $0x1  }
0x2: {  	[smem:$0x3F98] =	sst lr;
	_ =	strace $0xD0000000  }
0x3: {  	_ = 	snop  }
0x4: {  	_ = 	snop  }
0x5: {  	_ = 	snop  }
0x6: {  	_ = 	snop  }
0x7: {  	_ = 	snop  }
__scs_overlays_trampoline_lowered:
0x8: {  	[smem:$0x3FA7] =	sst s0  }
0x9: {  	[smem:$0x3FA8] =	sst s1  }
0xa: {  	[smem:$0x3FA9] =	sst s2  }
0xb: {  	[smem:$0x3FAA] =	sst s3  }
0xc: {  	[smem:$0x3FAB] =	sst s4  }
0xd: {  	[smem:$0x3FAC] =	sst s5  }
0xe: {  	[smem:$0x3FAD] =	sst s6  }
0xf: {  	[smem:$0x3FAE] =	sst s7  }
0x10: {  	[smem:$0x3FAF] =	sst s8  }
0x11: {  	[smem:$0x3FB0] =	sst s9;
	s0 =	simm.s32 @!p0 $0x0  }
0x12: {  	s1 =	sld [smem:$0x3F96];
	s0 =	simm.s32 @p0 $0x1  }
0x13: {  	[smem:$0x3FB1] =	sst s0;
	s0 =	simm.s32 @!p1 $0x0  }
0x14: {  	s2 =	sld [smem:$0x3F95];
	s0 =	simm.s32 @p1 $0x1  }
0x15: {  	[smem:$0x3FB2] =	sst s0;
	s0 =	simm.s32 @!p2 $0x0  }
0x16: {  	s3 =	sld [smem:$0x3FDB];
	s0 =	simm.s32 @p2 $0x1  }
0x17: {  	s4 =	simm.s32 $0x1BF5;
	[smem:$0x3FB4] =	sst s0  }
0x18: {  	s0 =	sld [smem:$0x3F97];
	_ =	swait.ge [sflag:s4], $0x0  }
0x19: {  	s7 =	sld [smem:$0x3F98]  }
0x1a: {  	s8 =	sadd.s32 $0xFFFFE003, lr  }
0x1b: {  	s9 =	sadd.s32 $0xFFFFFEF7, lr;
	s5 =	simm.s32 $0xFFFFFFFF;
	p2 =	slt.u32 s8, $0xFFFFF086  }
0x1c: {  	p1 =	slt.u32 s9, $0xF7A;
	s5 =	simm.s32 @!p2 $0x0  }
0x1d: {  	s5 =	simm.s32 @p1 $0x1;
	p0 =	seq.s32 s7, s2  }
0x1e: {  	s7 =	smul.u32 @!p0 $0xF7A, s2;
	p2 =	seq.s32 @!p0 s5, $0x0  }
0x1f: {  	s9 =	smul.u32 $0xF7A, s1;
	s8 =	simm.s32 @!p0 $0x1BF5;
	p2 =	por !p2, p0  }
0x20: {  	[sflag:s8] =	ssyncset.s32 @!p0 $0xFFFFF086;
	s6 =	sadd.s32 @!p0 s3, s7;
	s7 =	simm.s32 @!p0 $0x108  }
0x21: {  	s3 =	sadd.s32 s3, s9;
	s6 =	sadd.s32 @!p0 $0x88, s6;
	s7 =	simm.s32 @p2 $0x1082  }
0x22: {  	[simem:s7], [sflag:s8] =	dma.local @!p0 [hbm:s6], $0xF7A  }
0x23: {  	s9 =	sor.u32 $0xD0000000, s2;
	s6 =	simm.s32 $0x108;
	_ =	swait.ge @!p0 [sflag:s8], $0x0  }
0x24: {  	s3 =	sadd.s32 $0x88, s3;
	s6 =	simm.s32 @!p1 $0x1082;
	[sflag:s4] =	ssyncset.s32 $0xFFFFF086  }
0x25: {  	[simem:s6], [sflag:s4] =	dma.local [hbm:s3], $0xF7A  }
0x26: {  	[smem:$0x3F98] =	sst s1;
	(tag) =	ssettag s2;
	_ =	strace s9  }
0x27: {  	s1 =	sld [smem:$0x3FA8]  }
0x28: {  	s2 =	sld [smem:$0x3FA9]  }
0x29: {  	s4 =	sld [smem:$0x3FAB]  }
0x2a: {  	p0 =	seq.s32 s5, $0x0;
	s5 =	sld [smem:$0x3FAC]  }
0x2b: {  	s6 =	sld [smem:$0x3FAD]  }
0x2c: {  	s7 =	sld [smem:$0x3FAE]  }
0x2d: {  	s3 =	simm.s32 $0x108;
	s8 =	sld [smem:$0x3FAF]  }
0x2e: {  	s3 =	simm.s32 @!p0 $0x1082;
	s9 =	sld [smem:$0x3FB0]  }
0x2f: {  	lr =	sadd.s32 s0, s3;
	s0 =	sld [smem:$0x3FA7]  }
0x30: {  	s3 =	sld [smem:$0x3FAA]  }
0x31: {  	[smem:$0x3FB3] =	sst s10  }
0x32: {  	s10 =	sld [smem:$0x3FB1];
	_ =	sdelay $0x3  }
0x33: {  	p0 =	seq.s32 s10, $0x1;
	s10 =	sld [smem:$0x3FB3];
	_ =	sdelay $0x3  }
0x34: {  	[smem:$0x3FB3] =	sst s10  }
0x35: {  	s10 =	sld [smem:$0x3FB2];
	_ =	sdelay $0x3  }
0x36: {  	p1 =	seq.s32 s10, $0x1;
	s10 =	sld [smem:$0x3FB3];
	_ =	sdelay $0x3  }
0x37: {  	[smem:$0x3FB3] =	sst s10  }
0x38: {  	s10 =	sld [smem:$0x3FB4]  }
0x39: {  	_ = 	snop;
	(pc) =	sbr.ind lr, $3  }
0x3a: {  	_ = 	snop  }
0x3b: {  	_ = 	snop  }
0x3c: {  	p2 =	seq.s32 s10, $0x1;
	s10 =	sld [smem:$0x3FB3]  }
0x3d: {  	_ =	shalt  }
0x3e: {  	_ =	shalt  }
0x3f: {  	_ =	shalt  }
0x40: {  	_ =	shalt  }
0x41: {  	_ =	shalt  }
0x42: {  	_ =	shalt  }
0x43: {  	_ =	shalt  }
0x44: {  	_ =	shalt  }
0x45: {  	_ =	shalt  }
0x46: {  	_ =	shalt  }
0x47: {  	_ =	shalt  }
0x48: {  	_ =	shalt  }
0x49: {  	_ =	shalt  }
0x4a: {  	_ =	shalt  }
0x4b: {  	_ =	shalt  }
0x4c: {  	_ =	shalt  }
0x4d: {  	_ =	shalt  }
0x4e: {  	_ =	shalt  }
0x4f: {  	_ =	shalt  }
0x50: {  	_ =	shalt  }
0x51: {  	_ =	shalt  }
0x52: {  	_ =	shalt  }
0x53: {  	_ =	shalt  }
0x54: {  	_ =	shalt  }
0x55: {  	_ =	shalt  }
0x56: {  	_ =	shalt  }
0x57: {  	_ =	shalt  }
0x58: {  	_ =	shalt  }
0x59: {  	_ =	shalt  }
0x5a: {  	_ =	shalt  }
0x5b: {  	_ =	shalt  }
0x5c: {  	_ =	shalt  }
0x5d: {  	_ =	shalt  }
0x5e: {  	_ =	shalt  }
0x5f: {  	_ =	shalt  }
0x60: {  	_ =	shalt  }
0x61: {  	_ =	shalt  }
0x62: {  	_ =	shalt  }
0x63: {  	_ =	shalt  }
0x64: {  	_ =	shalt  }
0x65: {  	_ =	shalt  }
0x66: {  	_ =	shalt  }
0x67: {  	_ =	shalt  }
0x68: {  	_ =	shalt  }
0x69: {  	_ =	shalt  }
0x6a: {  	_ =	shalt  }
0x6b: {  	_ =	shalt  }
0x6c: {  	_ =	shalt  }
0x6d: {  	_ =	shalt  }
0x6e: {  	_ =	shalt  }
0x6f: {  	_ =	shalt  }
0x70: {  	_ =	shalt  }
0x71: {  	_ =	shalt  }
0x72: {  	_ =	shalt  }
0x73: {  	_ =	shalt  }
0x74: {  	_ =	shalt  }
0x75: {  	_ =	shalt  }
0x76: {  	_ =	shalt  }
0x77: {  	_ =	shalt  }
0x78: {  	_ =	shalt  }
0x79: {  	_ =	shalt  }
0x7a: {  	_ =	shalt  }
0x7b: {  	_ =	shalt  }
0x7c: {  	_ =	shalt  }
0x7d: {  	_ =	shalt  }
0x7e: {  	_ =	shalt  }
0x7f: {  	_ =	shalt  }
0x80: {  	_ =	shalt  }
0x81: {  	_ =	shalt  }
0x82: {  	_ =	shalt  }
0x83: {  	_ =	shalt  }
0x84: {  	_ =	shalt  }
0x85: {  	_ =	shalt  }
0x86: {  	_ =	shalt  }
0x87: {  	_ =	shalt  }
.Lfunc_end0:
.L_simem_size_0:
called_computation_lowered:
.L_overlay_start_0:
0x88: {  	s2 =	sld [smem:$0x3FD9]  }
0x89: {  	s3 =	sld [smem:$0x3FFE];
	_ =	sdelay $0x1  }
0x8a: {  	s1 =	srdreg.scid  }
0x8b: {  	s0 =	sand.u32 $0x1, s1  }
0x8c: {  	s18 =	sshll.u32 s0, $0xA;
	s2 =	sadd.s32 s3, s2  }
0x8d: {  	s2 =	sadd.s32 s2, s18  }
0x8e: {  	[smem:$0x3FBF] =	sst s2  }
0x8f: {  	_ = 	snop  }
0x90: {  	s2 =	sld [smem:$0x3FC9]  }
0x91: {  	s19 =	sld [smem:$0x3FC8]  }
0x92: {  	s4 =	sld [smem:$0x3FC7]  }
0x93: {  	s5 =	sld [smem:$0x3FC6]  }
0x94: {  	s6 =	sld [smem:$0x3FC5]  }
0x95: {  	s7 =	sld [smem:$0x3FC4]  }
0x96: {  	s8 =	sld [smem:$0x3FC3]  }
0x97: {  	s9 =	sld [smem:$0x3FC2]  }
0x98: {  	s10 =	sld [smem:$0x3FC1]  }
0x99: {  	s11 =	sld [smem:$0x3FD0];
	(tm) =	ssettm $0x1  }
0x9a: {  	s12 =	sld [smem:$0x3FFB];
	_ =	sdelay $0x3  }
0x9b: {  	_ =	strace s12  }
0x9c: {  	s12 =	sld [smem:$0x3FFC];
	_ =	sdelay $0x3  }
0x9d: {  	_ =	strace s12  }
0x9e: {  	s12 =	sld [smem:$0x3FFD];
	_ =	sdelay $0x3  }
0x9f: {  	_ =	strace s12  }
0xa0: {  	_ =	strace $0x8FFFFFFF  }
0xa1: {  	s20 =	sld [smem:$0x3FDB];
	_ =	sdelay $0x1  }
0xa2: {  	s13 =	simm.s32 $_scs_section_size  }
0xa3: {  	s14 =	simm.s32 $_size__tile_overlayer_lowered;
	s15 =	simm.s32 $_tile_overlayer_lowered  }
0xa4: {  	s23 =	simm.s32 $0x1BFF;
	s22 =	sshll.u32 s15, $0x1;
	s12 =	sadd.s32 s13, s20  }
0xa5: {  	s16 =	simm.s32 $0x0;
	s21 =	sshll.u32 s14, $0x1;
	s14 =	sadd.s32 s22, s12  }
0xa6: {  	[timem:s16], [sflag:s23] =	dma.local [hbm:s14], s21  }
0xa7: {  	_ =	swait.ge [sflag:s23], s21  }
0xa8: {  	s13 =	ssub.s32 $0x0, s21;
	[sflag:s23] =	ssyncset.done $0x0  }
0xa9: {  	[sflag:s23] =	ssyncadd.s32 s13;
	_ =	sdelay $0x1  }
0xaa: {  	s24 =	simm.s32 $0x1B8B  }
0xab: {  	_ =	swait.ge [sflag:s24], $0x1  }
0xac: {  	[sflag:s24] =	ssyncset.done $0x0  }
0xad: {  	s25 =	simm.s32 $0x1B8E;
	[sflag:s24] =	ssyncadd.s32 $0xFFFFFFFF  }
0xae: {  	s26 =	simm.s32 $execute0_lowered;
	[smem:$0x3FD2] =	sst s25  }
0xaf: {  	s13 =	sshll.u32 s26, $0x1;
	_ =	strace $0x80000046;
	[dreg:$0x1] =	wrdreg $0xFFFFFFFF  }
0xb0: {  	s28 =	simm.s32 $_size_execute0_lowered;
	s12 =	sadd.s32 s12, s13;
	[dreg:$0x0] =	wrdreg $0x0  }
0xb1: {  	s13 =	sshll.u32 s28, $0x1;
	[dreg:$0x2] =	wrdreg s12  }
0xb2: {  	[dreg:$0x3] =	wrdreg s13  }
0xb3: {  	[dreg:$0x4] =	wrdreg $0xC0  }
0xb4: {  	_ =	task [dreg:s16], $0x5FFFF  }
0xb5: {  	[dreg:$0x1] =	wrdreg $0xFFFFFFFF  }
0xb6: {  	[dreg:$0x0] =	wrdreg $0x60  }
0xb7: {  	[dreg:$0x2] =	wrdreg s2  }
0xb8: {  	[dreg:$0x3] =	wrdreg s19  }
0xb9: {  	[dreg:$0x4] =	wrdreg s4  }
0xba: {  	[dreg:$0x5] =	wrdreg s5  }
0xbb: {  	[dreg:$0x6] =	wrdreg s6  }
0xbc: {  	[dreg:$0x7] =	wrdreg s7  }
0xbd: {  	[dreg:$0x8] =	wrdreg s8  }
0xbe: {  	[dreg:$0x9] =	wrdreg s9  }
0xbf: {  	[dreg:$0xa] =	wrdreg s10  }
0xc0: {  	[dreg:$0xb] =	wrdreg s11  }
0xc1: {  	[dreg:$0xc] =	wrdreg $0x9  }
0xc2: {  	_ =	task.clear_ibuf [dreg:s16], $0xDFFFF;
	_ =	strace $0x90000046  }
0xc3: {  	s29 =	simm.s32 $0x9;
	_ =	strace $0x80000048  }
0xc4: {  	_ =	swait.ge [sflag:s29], $0x1  }
0xc5: {  	[sflag:s29] =	ssyncadd.s32 $0xFFFFFFFF  }
0xc6: {  	_ =	strace $0x90000048  }
0xc7: {  	_ =	sfence  }
0xc8: {  	s30 =	sld [smem:$0x0];
	_ =	sdelay $0x2  }
0xc9: {  	s31 =	sshll.u32 s1, $0xD;
	s1 =	sshrl.u32 s1, $0x2  }
0xca: {  	s3 =	sand.u32 $0x4000, s31;
	s1 =	sadd.s32 s1, s30  }
0xcb: {  	s0 =	sor.u32 s3, s0;
	s1 =	sshll.u32 s1, $0x11  }
0xcc: {  	s0 =	sor.u32 s1, s0  }
0xcd: {  	s0 =	sadd.s32 $0x8F2B, s0  }
0xce: {  	[sflag:s0] =	ssyncadd.remote.s32 $0x1  }
0xcf: {  	_ =	sfence.sel $0xFFFF  }
0xd0: {  	[dreg:$0x0] =	wrdreg $0xFFFFFFFF;
	(pc) =	sbr.abs _section_cstart, $3  }
0xd1: {  	[dreg:$0x1] =	wrdreg $0xFFFFFFFF  }
0xd2: {  	_ =	task.clear_ibuf [dreg:s16], $0x2FFFF;
	_ =	strace $0x9FFFFFFF  }
0xd3: {  	(tm) =	ssettm $0x7FFFFFFF  }
tec
execute0_lowered:
.L_overlay_start_1:
0x0: {  	(tag) =	ssettag $0x1  }
0x1: {  	s0 =	rddreg [dreg:$0x0]  }
0x2: {  	s1 =	rddreg [dreg:$0x1]  }
0x3: {  	s2 =	rddreg [dreg:$0x2]  }
0x4: {  	s3 =	rddreg [dreg:$0x3]  }
0x5: {  	s4 =	rddreg [dreg:$0x4]  }
0x6: {  	s5 =	rddreg [dreg:$0x5]  }
0x7: {  	s7 =	rddreg [dreg:$0x6];
	s6 =	srdreg.scid  }
0x8: {  	s10 =	rddreg [dreg:$0x9];
	s12 =	simm.s32 $0x0;
	s11 =	stileid.u32  }
0x9: {  	s16 =	simm.s32 $0x2;
	s18 =	simm.s32 $0x80;
	s19 =	simm.s32 $0x100  }
0xa: {  	s20 =	simm.s32 $0x180;
	s21 =	simm.s32 $0x4180;
	s6 =	sand.u32 $0x1, s6  }
0xb: {  	s22 =	simm.s32 $0x8180;
	s23 =	simm.s32 $0xC180;
	s8 =	ssub.s32 $0x2, s6  }
0xc: {  	s24 =	simm.s32 $0x1;
	s25 =	simm.s32 $0x10180;
	s9 =	sshrl.u32 s8, $0x1  }
0xd: {  	s26 =	simm.s32 $0x0;
	[smem:$0x7FF] =	sst s12;
	s8 =	ssub.s32 s8, s9  }
0xe: {  	s30 =	sshll.u32 s11, $0x7;
	s6 =	sshll.u32 s6, $0x6;
	s31 =	smax.u32 s8, $0x1  }
0xf: {  	v6 =	vlaneseq.u32;
	_ =	strace $0x80000047;
	s13 =	sor.u32 s6, s30;
	[dreg:$0xb] =	wrdreg s31  }
.LBB2_1:
0x10: {  	s6 =	rddreg [dreg:$0x7];
	s8 =	simm.s32 $0x10200  }
0x11: {  	[tilespmem:s8], [sflag:$0x2] =	stream.linear.gather [hbm4b:s6+s12], $0x100, $0x38;
	[tilespmem:$0x10400] =	vst v63  }
0x12: {  	_ =	swait.ge [sflag:s16], $0x100  }
0x13: {  	[sflag:s16] =	ssyncset.done $0x0  }
0x14: {  	[sflag:s16] =	ssyncadd.s32 $0xFFFFFF00  }
0x15: {  	s31 =	simm.s32 $0x10300;
	s30 =	rddreg [dreg:$0x8]  }
0x16: {  	[tilespmem:s31], [sflag:$0x2] =	stream.linear.gather [hbm4b:s30+s12], $0x100, $0x38;
	[tilespmem:$0x10400] =	vst v63  }
0x17: {  	_ =	swait.ge [sflag:s16], $0x100  }
0x18: {  	[sflag:s16] =	ssyncset.done $0x0  }
0x19: {  	[sflag:s16] =	ssyncadd.s32 $0xFFFFFF00  }
0x1a: {  	v1 =	vld [tilespmem:$0x10200]  }
0x1b: {  	v3 =	vld [tilespmem:$0x10210]  }
0x1c: {  	v2 =	vld [tilespmem:$0x10220]  }
0x1d: {  	v31 =	vld [tilespmem:$0x10230]  }
0x1e: {  	v20 =	vld [tilespmem:$0x10240]  }
0x1f: {  	v14 =	vld [tilespmem:$0x10250]  }
0x20: {  	v8 =	vld [tilespmem:$0x10260]  }
0x21: {  	v9 =	vld [tilespmem:$0x10270]  }
0x22: {  	v4 =	vld [tilespmem:$0x10320]  }
0x23: {  	v5 =	vld [tilespmem:$0x102A0]  }
0x24: {  	v16 =	vld [tilespmem:$0x10300]  }
0x25: {  	v10 =	vld [tilespmem:$0x102E0]  }
0x26: {  	v12 =	vld [tilespmem:$0x10360];
	[tilespmem:$0x1FEC0] =	vst v2  }
0x27: {  	v0 =	vld [tilespmem:$0x10310];
	[tilespmem:$0x1FED0] =	vst v4  }
0x28: {  	v13 =	vld [tilespmem:$0x10350];
	[tilespmem:$0x1FEF0] =	vst v5  }
0x29: {  	v28 =	vld [tilespmem:$0x10330];
	[tilespmem:$0x1FF10] =	vst v8  }
0x2a: {  	v11 =	vld [tilespmem:$0x10370];
	[tilespmem:$0x1FF20] =	vst v10  }
0x2b: {  	v19 =	vld [tilespmem:$0x10340];
	[tilespmem:$0x1FF30] =	vst v12  }
0x2c: {  	v22 =	vld [tilespmem:$0x102C0];
	[tilespmem:$0x1FF40] =	vst v9  }
0x2d: {  	v15 =	vld [tilespmem:$0x102F0];
	[tilespmem:$0x1FF50] =	vst v13  }
0x2e: {  	v4 =	vld [tilespmem:$0x10280];
	[tilespmem:$0x1FF60] =	vst v1  }
0x2f: {  	v5 =	vld [tilespmem:$0x102B0];
	[tilespmem:$0x1FF70] =	vst v11  }
0x30: {  	v23 =	vld [tilespmem:$0x102D0];
	[tilespmem:$0x1FF80] =	vst v3  }
0x31: {  	v30 =	vld [tilespmem:$0x10380];
	[tilespmem:$0x1FF90] =	vst v16  }
0x32: {  	v63 =	vld [tilespmem:$0x103A0];
	[tilespmem:$0x1FFA0] =	vst v15  }
0x33: {  	[tilespmem:$0x1FEE0] =	vst v4;
	v4 =	vld [tilespmem:$0x10290]  }
0x34: {  	[tilespmem:$0x1FF00] =	vst v5;
	v5 =	vld [tilespmem:$0x10390]  }
0x35: {  	v24 =	vld [tilespmem:$0x103B0];
	[tilespmem:$0x1FFB0] =	vst v0  }
0x36: {  	v21 =	vld [tilespmem:$0x103C0];
	[tilespmem:$0x1FFC0] =	vst v14  }
0x37: {  	v18 =	vld [tilespmem:$0x103D0];
	[tilespmem:$0x1FFF0] =	vst v63  }
0x38: {  	v25 =	vld [tilespmem:$0x103E0];
	[tilespmem:$0x1FFD0] =	vst v4  }
0x39: {  	s28 =	simm.s32 $0x0;
	v27 =	vld [tilespmem:$0x103F0];
	[tilespmem:$0x1FFE0] =	vst v5  }
.LBB2_2:
0x3a: {  	s6 =	sshll.u32 s28, $0x4  }
0x3b: {  	s29 =	sadd.s32 s13, s6  }
0x3c: {  	s6 =	sadd.s32 s0, s29  }
0x3d: {  	[tilespmem:s12], [sflag:$0x2] =	stream.linear.gather [hbm4b:s6+s12], $0x80, $0x38;
	[tilespmem:$0x10400] =	vst v63  }
0x3e: {  	_ =	swait.ge [sflag:s16], $0x80  }
0x3f: {  	[sflag:s16] =	ssyncset.done $0x0  }
0x40: {  	s14 =	sadd.s32 s2, s29;
	[sflag:s16] =	ssyncadd.s32 $0xFFFFFF80  }
0x41: {  	[tilespmem:s18], [sflag:$0x2] =	stream.linear.gather [hbm4b:s14+s12], $0x80, $0x38;
	[tilespmem:$0x10400] =	vst v63  }
0x42: {  	_ =	swait.ge [sflag:s16], $0x80  }
0x43: {  	[sflag:s16] =	ssyncset.done $0x0  }
0x44: {  	s15 =	sadd.s32 s1, s29;
	[sflag:s16] =	ssyncadd.s32 $0xFFFFFF80  }
0x45: {  	[tilespmem:s19], [sflag:$0x2] =	stream.linear.gather [hbm4b:s15+s12], $0x80, $0x38;
	[tilespmem:$0x10400] =	vst v63  }
0x46: {  	_ =	swait.ge [sflag:s16], $0x80  }
0x47: {  	[sflag:s16] =	ssyncset.done $0x0  }
0x48: {  	[sflag:s16] =	ssyncadd.s32 $0xFFFFFF80  }
0x49: {  	[tilespmem:s20], [sflag:$0x1] =	stream.indirect.gather [hbm4b:s3+s18], $0x80, s12, s18, $0xb8;
	[tilespmem:$0x10400] =	vst v63  }
0x4a: {  	_ = 	snop  }
0x4b: {  	[tilespmem:s21], [sflag:$0x1] =	stream.indirect.gather [hbm4b:s4+s18], $0x80, s12, s18, $0xb8;
	[tilespmem:$0x10400] =	vst v63  }
0x4c: {  	_ = 	snop  }
0x4d: {  	[tilespmem:s22], [sflag:$0x1] =	stream.indirect.gather [hbm4b:s5+s18], $0x80, s18, s18, $0xb8;
	[tilespmem:$0x10400] =	vst v63  }
0x4e: {  	_ = 	snop  }
0x4f: {  	[tilespmem:s23], [sflag:$0x1] =	stream.indirect.gather [hbm4b:s7+s18], $0x80, s18, s18, $0xb8;
	[tilespmem:$0x10400] =	vst v63  }
0x50: {  	_ =	swait.ge [sflag:s24], $0x4000  }
0x51: {  	[sflag:s24] =	ssyncset.done $0x0  }
0x52: {  	[sflag:s24] =	ssyncadd.s32 $0xFFFFC000  }
0x53: {  	_ =	swait.ge [sflag:s24], $0x4000  }
0x54: {  	[sflag:s24] =	ssyncset.done $0x0  }
0x55: {  	[sflag:s24] =	ssyncadd.s32 $0xFFFFC000  }
0x56: {  	_ =	swait.ge [sflag:s24], $0x4000  }
0x57: {  	[sflag:s24] =	ssyncset.done $0x0  }
0x58: {  	[sflag:s24] =	ssyncadd.s32 $0xFFFFC000  }
0x59: {  	_ =	swait.ge [sflag:s24], $0x4000  }
0x5a: {  	[sflag:s24] =	ssyncset.done $0x0  }
0x5b: {  	s8 =	simm.s32 $0xC200;
	[sflag:s24] =	ssyncadd.s32 $0xFFFFC000  }
0x5c: {  	s30 =	simm.s32 $0x4200;
	v35 =	vld [tilespmem:s8+$0x70]  }
0x5d: {  	s31 =	simm.s32 $0x8200;
	v36 =	vld [tilespmem:s30+$0x70]  }
0x5e: {  	s6 =	simm.s32 $0x200;
	v37 =	vld [tilespmem:s31+$0x70]  }
0x5f: {  	v38 =	vld [tilespmem:s6+$0x70]  }
0x60: {  	v39 =	vld [tilespmem:s8+$0xFFFFFFF0]  }
0x61: {  	v16 =	vld [tilespmem:s30+$0xFFFFFFF0]  }
0x62: {  	v17 =	vld [tilespmem:s31+$0xFFFFFFF0]  }
0x63: {  	v40 =	vld [tilespmem:s6+$0xFFFFFFF0]  }
0x64: {  	v41 =	vld [tilespmem:s8+$0x60]  }
0x65: {  	v42 =	vld [tilespmem:s30+$0x60]  }
0x66: {  	v43 =	vld [tilespmem:s31+$0x60]  }
0x67: {  	v44 =	vld [tilespmem:s6+$0x60]  }
0x68: {  	v45 =	vld [tilespmem:s8+$0xFFFFFFE0]  }
0x69: {  	v55 =	vld [tilespmem:s30+$0xFFFFFFE0]  }
0x6a: {  	v54 =	vld [tilespmem:s31+$0xFFFFFFE0]  }
0x6b: {  	v48 =	vld [tilespmem:s6+$0xFFFFFFE0]  }
0x6c: {  	v49 =	vld [tilespmem:s8+$0x50]  }
0x6d: {  	v50 =	vld [tilespmem:s30+$0x50]  }
0x6e: {  	v51 =	vld [tilespmem:s31+$0x50]  }
0x6f: {  	v52 =	vld [tilespmem:s6+$0x50]  }
0x70: {  	v63 =	vld [tilespmem:s8+$0xFFFFFFD0]  }
0x71: {  	v2 =	vld [tilespmem:s30+$0xFFFFFFD0]  }
0x72: {  	v3 =	vld [tilespmem:s31+$0xFFFFFFD0]  }
0x73: {  	v0 =	vld [tilespmem:s6+$0xFFFFFFD0]  }
0x74: {  	v57 =	vld [tilespmem:s8+$0x40]  }
0x75: {  	v58 =	vld [tilespmem:s30+$0x40]  }
0x76: {  	v59 =	vld [tilespmem:s31+$0x40]  }
0x77: {  	v60 =	vld [tilespmem:s6+$0x40]  }
0x78: {  	v26 =	vld [tilespmem:s8+$0xFFFFFFC0]  }
0x79: {  	v7 =	vld [tilespmem:s30+$0xFFFFFFC0]  }
0x7a: {  	v32 =	vld [tilespmem:s31+$0xFFFFFFC0];
	v46 =	vmul.f32 v35, v38  }
0x7b: {  	v4 =	vld [tilespmem:s6+$0xFFFFFFC0];
	v33 =	vmul.f32 v37, v36;
	v37 =	vmul.f32 v37, v38  }
0x7c: {  	v1 =	vld [tilespmem:s8+$0x30];
	[tilespmem:$0x1FE70] =	vst v16;
	v38 =	vmul.f32 v39, v16;
	v16 =	vmul.f32 v39, v40  }
0x7d: {  	v62 =	vld [tilespmem:s30+$0x30]  }
0x7e: {  	v5 =	vld [tilespmem:s8+$0xFFFFFFB0];
	[tilespmem:$0x1FEA0] =	vst v16;
	v16 =	vsub.f32 v46, v33  }
0x7f: {  	v61 =	vld [tilespmem:s31+$0x30]  }
0x80: {  	v47 =	vld [tilespmem:s6+$0x30];
	v36 =	vmul.f32 v35, v36;
	[tilespmem:$0x1FE90] =	vst v16;
	v16 =	vmul.f32 v45, v55  }
0x81: {  	v29 =	vld [tilespmem:s30+$0xFFFFFFB0];
	v56 =	vmul.f32 v41, v44;
	v53 =	vmul.f32 v43, v42  }
0x82: {  	v41 =	vmul.f32 v41, v42;
	v42 =	vld [tilespmem:s31+$0xFFFFFFB0];
	[tilespmem:$0x1FDE0] =	vst v16;
	v16 =	vmul.f32 v45, v48  }
0x83: {  	[tilespmem:$0x1FDF0] =	vst v5;
	v43 =	vmul.f32 v43, v44;
	v44 =	vmul.f32 v17, v40;
	v5 =	vld [tilespmem:s6+$0xFFFFFFB0]  }
0x84: {  	v35 =	vmul.f32 v49, v52;
	v39 =	vmul.f32 v51, v52;
	v52 =	vld [tilespmem:s30+$0x20];
	[tilespmem:$0x1FDD0] =	vst v16;
	v16 =	vadd.f32 v36, v37  }
0x85: {  	v34 =	vmul.f32 v51, v50;
	v49 =	vmul.f32 v49, v50;
	v50 =	vld [tilespmem:s31+$0x20];
	[tilespmem:$0x1FDC0] =	vst v44  }
0x86: {  	v40 =	vmul.f32 v3, v0;
	v44 =	vld [tilespmem:s8+$0x20];
	v33 =	vmul.f32 v57, v60;
	[tilespmem:$0x1FE50] =	vst v16;
	v16 =	vsub.f32 v56, v53  }
0x87: {  	[tilespmem:$0x1FDB0] =	vst v38;
	v38 =	vld [tilespmem:s6+$0x20];
	v46 =	vmul.f32 v1, v47;
	v55 =	vmul.f32 v55, v54  }
0x88: {  	v54 =	vmul.f32 v54, v48;
	v48 =	vmul.f32 v1, v62;
	v1 =	vld [tilespmem:$0x1FDC0];
	[tilespmem:$0x1FE40] =	vst v16;
	v16 =	vadd.f32 v41, v43  }
0x89: {  	[tilespmem:$0x1FE00] =	vst v42;
	v37 =	vmul.f32 v59, v60;
	v60 =	vmul.f32 v63, v0;
	v0 =	vld [tilespmem:$0x1FDB0]  }
0x8a: {  	v42 =	vld [tilespmem:s30+$0x10];
	[tilespmem:$0x1FE30] =	vst v16;
	v16 =	vsub.f32 v35, v34  }
0x8b: {  	v45 =	vmul.f32 v57, v58;
	v36 =	vmul.f32 v59, v58;
	v58 =	vld [tilespmem:s30+$0xFFFFFFA0]  }
0x8c: {  	v59 =	vmul.f32 v63, v2;
	v63 =	vld [tilespmem:s31+$0xFFFFFFA0];
	[tilespmem:$0x1FE20] =	vst v16;
	v16 =	vadd.f32 v49, v39  }
0x8d: {  	[tilespmem:$0x1FE80] =	vst v17;
	v51 =	vmul.f32 v2, v3;
	v2 =	vld [tilespmem:$0x1FF60]  }
0x8e: {  	v17 =	vsub.f32 v33, v36;
	v36 =	vmul.f32 v61, v62;
	[tilespmem:$0x1FE10] =	vst v16;
	v16 =	vadd.f32 v0, v1;
	v0 =	vld [tilespmem:$0x1FDD0]  }
0x8f: {  	v57 =	vadd.f32 v45, v37;
	v37 =	vmul.f32 v61, v47;
	v62 =	vld [tilespmem:s31+$0x10];
	v47 =	vmul.f32 v26, v4  }
0x90: {  	v56 =	vsub.f32 v46, v36;
	v43 =	vmul.f32 v32, v4;
	v4 =	vmul.f32 v44, v38;
	v36 =	vld [tilespmem:s31+$0x0]  }
0x91: {  	v41 =	vmul.f32 v50, v52;
	v44 =	vmul.f32 v44, v52;
	v52 =	vld [tilespmem:s6+$0x0]  }
0x92: {  	v35 =	vld [tilespmem:s6+$0x10]  }
0x93: {  	v49 =	vld [tilespmem:s8+$0x10];
	[tilespmem:$0x1FEB0] =	vst v16;
	v16 =	vsub.f32 v0, v55  }
0x94: {  	v45 =	vmul.f32 v7, v32;
	v0 =	vld [tilespmem:$0x1FDE0]  }
0x95: {  	[tilespmem:$0x1FE60] =	vst v16;
	v16 =	vld [tilespmem:$0x1FDF0]  }
0x96: {  	v38 =	vmul.f32 v50, v38;
	v50 =	vsub.f32 v47, v45;
	v45 =	vld [tilespmem:s8+$0xFFFFFF80]  }
0x97: {  	v59 =	vadd.f32 v59, v40;
	v34 =	vld [tilespmem:s30+$0x0];
	v40 =	vmul.f32 v62, v42  }
0x98: {  	v47 =	vmul.f32 v49, v35;
	v35 =	vmul.f32 v62, v35;
	v62 =	vld [tilespmem:s31+$0xFFFFFF80]  }
0x99: {  	v48 =	vadd.f32 v48, v37;
	v42 =	vmul.f32 v49, v42;
	v49 =	vld [tilespmem:s6+$0xFFFFFF80]  }
0x9a: {  	v55 =	vadd.f32 v0, v54;
	v54 =	vmul.f32 v16, v29;
	v37 =	vmul.f32 v16, v5;
	v16 =	vld [tilespmem:$0x1FE00]  }
0x9b: {  	v39 =	vld [tilespmem:s8+$0x0]  }
0x9c: {  	v53 =	vld [tilespmem:s8+$0xFFFFFFA0]  }
0x9d: {  	v61 =	vmul.f32 v26, v7;
	v60 =	vsub.f32 v60, v51;
	v51 =	vld [tilespmem:s8+$0xFFFFFF90];
	v46 =	vsub.f32 v4, v41  }
0x9e: {  	v41 =	vadd.f32 v44, v38;
	v44 =	vld [tilespmem:s6+$0xFFFFFFA0];
	v4 =	vmul.f32 v36, v52;
	v32 =	vmul.f32 v62, v49  }
0x9f: {  	v26 =	vld [tilespmem:$0x1FF90];
	v49 =	vmul.f32 v45, v49;
	v33 =	vmul.f32 v29, v16  }
0xa0: {  	v40 =	vsub.f32 v47, v40;
	v47 =	vld [tilespmem:s31+$0xFFFFFF90];
	v38 =	vmul.f32 v16, v5;
	v5 =	vmul.f32 v39, v34  }
0xa1: {  	v39 =	vmul.f32 v39, v52;
	v52 =	vld [tilespmem:s30+$0xFFFFFF80];
	v34 =	vmul.f32 v36, v34  }
0xa2: {  	v36 =	vmul.f32 v53, v58;
	v16 =	vld [tilespmem:$0x1FEE0];
	v33 =	vsub.f32 v37, v33;
	v37 =	vadd.f32 v5, v4  }
0xa3: {  	v53 =	vmul.f32 v53, v44;
	v38 =	vadd.f32 v54, v38;
	v54 =	vld [tilespmem:s30+$0xFFFFFF90];
	v34 =	vsub.f32 v39, v34  }
0xa4: {  	v39 =	vmul.f32 v63, v44;
	v44 =	vld [tilespmem:s6+$0xFFFFFF90];
	v4 =	vmul.f32 v37, v2  }
0xa5: {  	v1 =	vld [tilespmem:$0x1FF80];
	v35 =	vadd.f32 v42, v35;
	v58 =	vmul.f32 v58, v63;
	v5 =	vmul.f32 v34, v26  }
0xa6: {  	v34 =	vmul.f32 v34, v30;
	v45 =	vmul.f32 v45, v52;
	v42 =	vadd.f32 $0.0e+00, v4  }
0xa7: {  	v63 =	vmul.f32 v52, v62;
	v37 =	vmul.f32 v37, v16  }
0xa8: {  	v45 =	vadd.f32 v45, v32;
	v42 =	vadd.f32 v42, v5;
	v5 =	vmul.f32 v51, v54  }
0xa9: {  	v0 =	vld [tilespmem:$0x1FFD0];
	v36 =	vadd.f32 v36, v39;
	v54 =	vmul.f32 v54, v47;
	v47 =	vmul.f32 v47, v44  }
0xaa: {  	v4 =	vmul.f32 v35, v1;
	v37 =	vadd.f32 $0.0e+00, v37;
	v62 =	vmul.f32 v45, v16;
	v16 =	vld [tilespmem:$0x1FEC0]  }
0xab: {  	v39 =	vsub.f32 v49, v63;
	v44 =	vmul.f32 v51, v44;
	v47 =	vadd.f32 v5, v47;
	v5 =	vld [tilespmem:$0x1FFB0]  }
0xac: {  	v34 =	vadd.f32 v37, v34;
	v42 =	vadd.f32 v4, v42;
	v4 =	vld [tilespmem:$0x1FFE0]  }
0xad: {  	v44 =	vsub.f32 v44, v54;
	v54 =	vmul.f32 v39, v30;
	v37 =	vadd.f32 $0.0e+00, v62  }
0xae: {  	v43 =	vadd.f32 v61, v43;
	v53 =	vsub.f32 v53, v58;
	v35 =	vmul.f32 v35, v0  }
0xaf: {  	v49 =	vmul.f32 v56, v28;
	v62 =	vmul.f32 v47, v0;
	v0 =	vld [tilespmem:$0x1FED0];
	v37 =	vadd.f32 v37, v54  }
0xb0: {  	v39 =	vmul.f32 v39, v26;
	v34 =	vadd.f32 v35, v34;
	v61 =	vmul.f32 v40, v5  }
0xb1: {  	v3 =	vld [tilespmem:$0x1FFF0];
	v63 =	vmul.f32 v41, v16;
	v58 =	vmul.f32 v40, v4;
	v52 =	vadd.f32 v62, v37  }
0xb2: {  	v62 =	vmul.f32 v48, v31;
	v51 =	vmul.f32 v44, v5;
	v42 =	vadd.f32 v42, v61  }
0xb3: {  	v5 =	vmul.f32 v57, v22;
	v61 =	vmul.f32 v45, v2;
	v34 =	vadd.f32 v34, v58;
	v2 =	vld [tilespmem:$0x1FEF0]  }
0xb4: {  	v45 =	vmul.f32 v33, v24;
	v42 =	vadd.f32 v63, v42;
	v63 =	vmul.f32 v46, v0  }
0xb5: {  	v33 =	vmul.f32 v33, v28;
	v40 =	vadd.f32 $0.0e+00, v61;
	v61 =	vmul.f32 v44, v4  }
0xb6: {  	v4 =	vmul.f32 v46, v3;
	v44 =	vmul.f32 v55, v10;
	v58 =	vadd.f32 v42, v63  }
0xb7: {  	v63 =	vmul.f32 v47, v1;
	v35 =	vadd.f32 v52, v61;
	v61 =	vmul.f32 v56, v24  }
0xb8: {  	v29 =	vld [tilespmem:$0x1FE30];
	v39 =	vadd.f32 v40, v39;
	v54 =	vmul.f32 v41, v2;
	v47 =	vmul.f32 v36, v2  }
0xb9: {  	v2 =	vld [tilespmem:$0x1FF00];
	v36 =	vmul.f32 v36, v16;
	v37 =	vadd.f32 v62, v58;
	v58 =	vmul.f32 v57, v20  }
0xba: {  	v39 =	vadd.f32 v63, v39;
	v63 =	vmul.f32 v17, v19;
	v57 =	vmul.f32 v59, v23  }
0xbb: {  	v34 =	vadd.f32 v54, v34;
	v35 =	vadd.f32 v47, v35;
	v54 =	vmul.f32 v53, v3  }
0xbc: {  	v47 =	vmul.f32 v17, v21;
	v37 =	vadd.f32 v37, v49;
	v39 =	vadd.f32 v39, v51  }
0xbd: {  	v34 =	vadd.f32 v34, v4;
	v4 =	vmul.f32 v53, v0;
	v0 =	vld [tilespmem:$0x1FE10];
	v53 =	vmul.f32 v29, v8  }
0xbe: {  	v17 =	vld [tilespmem:$0x1FE20];
	v35 =	vadd.f32 v35, v54;
	v54 =	vmul.f32 v43, v20;
	v52 =	vmul.f32 v48, v2  }
0xbf: {  	v37 =	vadd.f32 v58, v37;
	v36 =	vadd.f32 v36, v39;
	v62 =	vmul.f32 v38, v2  }
0xc0: {  	v38 =	vmul.f32 v38, v31;
	v48 =	vmul.f32 v43, v22;
	v34 =	vadd.f32 v52, v34  }
0xc1: {  	v1 =	vld [tilespmem:$0x1FE80];
	v58 =	vmul.f32 v50, v19;
	v35 =	vadd.f32 v62, v35;
	v37 =	vadd.f32 v37, v63  }
0xc2: {  	v36 =	vadd.f32 v36, v4;
	v46 =	vmul.f32 v0, v14;
	v51 =	vmul.f32 v0, v23;
	v0 =	vld [tilespmem:$0x1FE70]  }
0xc3: {  	v49 =	vmul.f32 v17, v13;
	v52 =	vmul.f32 v50, v21;
	v34 =	vadd.f32 v34, v61  }
0xc4: {  	v35 =	vadd.f32 v35, v45;
	v36 =	vadd.f32 v38, v36;
	v61 =	vmul.f32 v29, v10;
	v29 =	vld [tilespmem:$0x1FE40]  }
0xc5: {  	v56 =	vmul.f32 v17, v18;
	v34 =	vadd.f32 v5, v34;
	v37 =	vadd.f32 v46, v37  }
0xc6: {  	v63 =	vmul.f32 v60, v18;
	v17 =	vld [tilespmem:$0x1FE60];
	v35 =	vadd.f32 v48, v35;
	v33 =	vadd.f32 v36, v33  }
0xc7: {  	v34 =	vadd.f32 v34, v47;
	v37 =	vadd.f32 v37, v49;
	v50 =	vmul.f32 v0, v1;
	v0 =	vld [tilespmem:$0x1FEA0]  }
0xc8: {  	v45 =	vmul.f32 v60, v13;
	v35 =	vadd.f32 v35, v52;
	v33 =	vadd.f32 v54, v33  }
0xc9: {  	v62 =	vmul.f32 v29, v12;
	v4 =	vmul.f32 v29, v25;
	v29 =	vld [tilespmem:$0x1FE50];
	v34 =	vadd.f32 v51, v34  }
0xca: {  	v5 =	vmul.f32 v59, v14;
	v1 =	vld [tilespmem:$0x1FE90];
	v37 =	vadd.f32 v53, v37;
	v33 =	vadd.f32 v33, v58  }
0xcb: {  	v48 =	vmul.f32 v17, v25;
	v35 =	vadd.f32 v57, v35;
	v34 =	vadd.f32 v34, v56  }
0xcc: {  	v49 =	vmul.f32 v55, v8;
	v33 =	vadd.f32 v5, v33;
	v53 =	vsub.f32 v0, v50;
	v0 =	vld [tilespmem:$0x1FEB0]  }
0xcd: {  	v51 =	vmul.f32 v17, v12;
	v36 =	vadd.f32 v37, v62;
	v35 =	vadd.f32 v35, v63  }
0xce: {  	v34 =	vadd.f32 v61, v34;
	v46 =	vmul.f32 v29, v9;
	v33 =	vadd.f32 v33, v45  }
0xcf: {  	v35 =	vadd.f32 v44, v35;
	v47 =	vmul.f32 v29, v15;
	v52 =	vmul.f32 v1, v11  }
0xd0: {  	v55 =	vmul.f32 v1, v27;
	v34 =	vadd.f32 v34, v4;
	v33 =	vadd.f32 v49, v33  }
0xd1: {  	v36 =	vadd.f32 v46, v36;
	v35 =	vadd.f32 v35, v48;
	v54 =	vmul.f32 v0, v15  }
0xd2: {  	v34 =	vadd.f32 v47, v34;
	v33 =	vadd.f32 v33, v51;
	v56 =	vmul.f32 v0, v9  }
0xd3: {  	v57 =	vmul.f32 v53, v27;
	v36 =	vadd.f32 v36, v52;
	v35 =	vadd.f32 v54, v35  }
0xd4: {  	v58 =	vmul.f32 v53, v11;
	v34 =	vadd.f32 v34, v55;
	v33 =	vadd.f32 v56, v33  }
0xd5: {  	(xrf2) =	vadd.scan.msk.f32 $0xffff, v36;
	v35 =	vadd.f32 v35, v57  }
0xd6: {  	(xrf2) =	vadd.scan.msk.f32 $0xffff, v34;
	v33 =	vadd.f32 v33, v58  }
0xd7: {  	(xrf2) =	vadd.scan.msk.f32 $0xffff, v35  }
0xd8: {  	(xrf2) =	vadd.scan.msk.f32 $0xffff, v33;
	_ =	sdelay $0x5  }
0xd9: {  	s17 =	simm.s32 $0x1  }
0xda: {  	s9 =	sand.u32 $0xF, s17;
	v59, _, _ =	vpop (xrf2)  }
0xdb: {  	s11 =	simm.s32 $0xF2;
	p0 =	sne.s32 s9, $0xF;
	s8 =	simm.s32 $0x0;
	v34, _, _ =	vpop (xrf2)  }
0xdc: {  	s15 =	sand.u32 $0xE, s8;
	v36 =	vld @!p0 [tilespmem:s11+$0x0];
	v35, _, _ =	vpop (xrf2)  }
0xdd: {  	v60 =	vimm.f32 $0.0e+00;
	v62 =	vmov s15;
	v61, _, _ =	vpop (xrf2)  }
0xde: {  	v63 =	vmov s9;
	v35 =	vbroadcast v35, $0xF;
	v38 =	vbroadcast v61, $0xF  }
0xdf: {  	vm0 =	veq.s32 v62, v6;
	v33 =	vbroadcast v59, $0xF;
	v34 =	vbroadcast v34, $0xF  }
0xe0: {  	vm15 =	veq.s32 v63, v6;
	v35 =	vsel vm0, v35, v60;
	v37 =	vsel vm0, v38, v60  }
0xe1: {  	vm0 =	veq.s32 @!p0 v36, $0x0;
	v37 =	vsel vm15, v33, v37;
	v33 =	vsel vm15, v34, v35  }
0xe2: {  	s9 =	simm.s32 $0x10172;
	v34 =	vsel @!p0 vm0, v37, v33  }
0xe3: {  	s15 =	simm.s32 $0xC300;
	v1 =	vpsel !p0, $0x0, v33;
	v0 =	vpsel !p0, $0x0, v37;
	[tilespmem:s9+$0x0] =	vst @!p0 v34  }
.LBB2_3:
0xe4: {  	v35 =	vld [tilespmem:s15+$0x70]  }
0xe5: {  	v39 =	vld [tilespmem:s15+$0xFFFFFFF0]  }
0xe6: {  	v40 =	vld [tilespmem:s15+$0x60]  }
0xe7: {  	v47 =	vld [tilespmem:s15+$0xFFFFFFE0]  }
0xe8: {  	v51 =	vld [tilespmem:s15+$0x50]  }
0xe9: {  	v55 =	vld [tilespmem:s15+$0xFFFFFFD0]  }
0xea: {  	[tilespmem:$0x1FD90] =	vst v1;
	s30 =	sadd.s32 $0x100, s30;
	v1 =	vld [tilespmem:s15+$0xFFFFFFC0]  }
0xeb: {  	s31 =	sadd.s32 $0x100, s31;
	v36 =	vld [tilespmem:s30+$0x70]  }
0xec: {  	s6 =	sadd.s32 $0x100, s6;
	v37 =	vld [tilespmem:s31+$0x70]  }
0xed: {  	v38 =	vld [tilespmem:s6+$0x70]  }
0xee: {  	v41 =	vld [tilespmem:s30+$0xFFFFFFF0]  }
0xef: {  	v42 =	vld [tilespmem:s31+$0xFFFFFFF0]  }
0xf0: {  	v43 =	vld [tilespmem:s6+$0xFFFFFFF0]  }
0xf1: {  	v44 =	vld [tilespmem:s30+$0x60]  }
0xf2: {  	v45 =	vld [tilespmem:s31+$0x60]  }
0xf3: {  	v46 =	vld [tilespmem:s6+$0x60]  }
0xf4: {  	v48 =	vld [tilespmem:s30+$0xFFFFFFE0]  }
0xf5: {  	v49 =	vld [tilespmem:s31+$0xFFFFFFE0]  }
0xf6: {  	v50 =	vld [tilespmem:s6+$0xFFFFFFE0]  }
0xf7: {  	v52 =	vld [tilespmem:s30+$0x50]  }
0xf8: {  	v53 =	vld [tilespmem:s31+$0x50]  }
0xf9: {  	v54 =	vld [tilespmem:s6+$0x50]  }
0xfa: {  	v56 =	vld [tilespmem:s30+$0xFFFFFFD0]  }
0xfb: {  	v59 =	vld [tilespmem:s31+$0xFFFFFFD0];
	v57 =	vmul.f32 v35, v38;
	v58 =	vmul.f32 v37, v36  }
0xfc: {  	v61 =	vld [tilespmem:s30+$0x40];
	v37 =	vmul.f32 v37, v38;
	v35 =	vmul.f32 v35, v36  }
0xfd: {  	v62 =	vld [tilespmem:s31+$0x40];
	v33 =	vsub.f32 v57, v58  }
0xfe: {  	v3 =	vmul.f32 v39, v41;
	v57 =	vld [tilespmem:s15+$0x40];
	v34 =	vadd.f32 v35, v37  }
0xff: {  	[tilespmem:$0x1FDA0] =	vst v0;
	v60 =	vld [tilespmem:s6+$0xFFFFFFD0];
	v5 =	vmul.f32 v42, v43;
	v0 =	vmul.f32 v33, v11  }
0x100: {  	v63 =	vld [tilespmem:s6+$0x40];
	v32 =	vmul.f32 v51, v54;
	v4 =	vmul.f32 v34, v15  }
0x101: {  	v2 =	vld [tilespmem:s30+$0xFFFFFFC0];
	v51 =	vmul.f32 v51, v52;
	[tilespmem:$0x1FD40] =	vst v0;
	v0 =	vmul.f32 v34, v9  }
0x102: {  	v17 =	vld [tilespmem:s31+$0x20];
	v36 =	vmul.f32 v62, v61;
	[tilespmem:$0x1FD50] =	vst v4;
	v4 =	vmul.f32 v39, v43  }
0x103: {  	v58 =	vld [tilespmem:s31+$0xFFFFFFC0];
	v38 =	vmul.f32 v57, v61;
	[tilespmem:$0x1FD20] =	vst v0;
	v0 =	vmul.f32 v33, v27  }
0x104: {  	v15 =	vld [tilespmem:s15+$0x20];
	[tilespmem:$0x1FD60] =	vst v4;
	v4 =	vmul.f32 v41, v42;
	v33 =	vmul.f32 v53, v52  }
0x105: {  	v61 =	vld [tilespmem:s30+$0x20];
	v53 =	vmul.f32 v53, v54;
	[tilespmem:$0x1FD80] =	vst v0;
	v0 =	vmul.f32 v45, v44  }
0x106: {  	v45 =	vmul.f32 v45, v46;
	v44 =	vmul.f32 v40, v44;
	[tilespmem:$0x1FD70] =	vst v4;
	v4 =	vld [tilespmem:s6+$0xFFFFFFC0]  }
0x107: {  	v35 =	vmul.f32 v40, v46;
	v34 =	vadd.f32 v51, v53;
	v53 =	vadd.f32 v3, v5;
	v3 =	vld [tilespmem:s31+$0x10]  }
0x108: {  	v5 =	vld [tilespmem:s6+$0x10];
	v44 =	vadd.f32 v44, v45  }
0x109: {  	v11 =	vmul.f32 v48, v49;
	v40 =	vld [tilespmem:$0x1FF00];
	v0 =	vsub.f32 v35, v0;
	v14 =	vmul.f32 v34, v14  }
0x10a: {  	v45 =	vsub.f32 v32, v33;
	v16 =	vmul.f32 v34, v23;
	v7 =	vmul.f32 v44, v8;
	v8 =	vld [tilespmem:s6+$0x30]  }
0x10b: {  	v51 =	vmul.f32 v49, v50;
	v6 =	vmul.f32 v0, v12;
	v12 =	vld [tilespmem:s30+$0xFFFFFFB0];
	[tilespmem:$0x1FCA0] =	vst v14  }
0x10c: {  	v49 =	vmov v18;
	v0 =	vmul.f32 v0, v25;
	v14 =	vmul.f32 v45, v18;
	[tilespmem:$0x1FCD0] =	vst v16;
	v18 =	vld [tilespmem:s6+$0x20]  }
0x10d: {  	[tilespmem:$0x1FD00] =	vst v6;
	v6 =	vld [tilespmem:s15+$0x30]  }
0x10e: {  	v35 =	vmul.f32 v57, v63;
	v9 =	vmul.f32 v44, v10;
	[tilespmem:$0x1FD30] =	vst v0;
	v0 =	vld [tilespmem:s30+$0x30]  }
0x10f: {  	v37 =	vmul.f32 v62, v63;
	v13 =	vmul.f32 v45, v13;
	[tilespmem:$0x1FCE0] =	vst v7;
	v7 =	vld [tilespmem:s31+$0x30]  }
0x110: {  	v54 =	vmul.f32 v47, v48;
	v10 =	vmul.f32 v47, v50;
	v50 =	vsub.f32 v35, v36;
	[tilespmem:$0x1FD10] =	vst v9;
	v9 =	vld [tilespmem:s15+$0xFFFFFFB0]  }
0x111: {  	v39 =	vadd.f32 v38, v37;
	v57 =	vmul.f32 v55, v56;
	v63 =	vmul.f32 v55, v60;
	[tilespmem:$0x1FCC0] =	vst v13;
	v13 =	vld [tilespmem:s31+$0xFFFFFFB0]  }
0x112: {  	v55 =	vmov v23;
	v16 =	vmul.f32 v56, v59;
	[tilespmem:$0x1FCF0] =	vst v14;
	v14 =	vld [tilespmem:s6+$0xFFFFFFB0];
	v23 =	vmul.f32 v50, v19  }
0x113: {  	v52 =	vmov v19;
	v59 =	vmul.f32 v59, v60;
	v56 =	vmul.f32 v39, v22;
	v19 =	vld [tilespmem:s15+$0xFFFFFFA0]  }
0x114: {  	v44 =	vmov v22;
	v22 =	vld [tilespmem:s15+$0x10];
	[tilespmem:$0x1FC90] =	vst v23;
	v23 =	vmul.f32 v39, v20;
	v62 =	vmul.f32 v7, v0  }
0x115: {  	v48 =	vmov v20;
	v20 =	vld [tilespmem:s30+$0xFFFFFFA0];
	v7 =	vmul.f32 v7, v8;
	v0 =	vmul.f32 v6, v0  }
0x116: {  	v45 =	vmov v21;
	[tilespmem:$0x1FC80] =	vst v23;
	v23 =	vmul.f32 v50, v21;
	v21 =	vld [tilespmem:s31+$0xFFFFFFA0];
	v60 =	vmul.f32 v6, v8  }
0x117: {  	v42 =	vmovc v30;
	v30 =	vmul.f32 v1, v2;
	v2 =	vmul.f32 v2, v58;
	v6 =	vld [tilespmem:s6+$0xFFFFFFA0];
	v0 =	vadd.f32 v0, v7  }
0x118: {  	v1 =	vmul.f32 v1, v4;
	v4 =	vmul.f32 v58, v4;
	[tilespmem:$0x1FCB0] =	vst v23;
	v23 =	vld [tilespmem:s15+$0x0];
	v50 =	vsub.f32 v60, v62  }
0x119: {  	v62 =	vmul.f32 v0, v31;
	v46 =	vmul.f32 v0, v40;
	v0 =	vld [tilespmem:$0x1FED0]  }
0x11a: {  	v33 =	vmov v28;
	v60 =	vmul.f32 v50, v28;
	v58 =	vmul.f32 v50, v24;
	v28 =	vld [tilespmem:$0x1FFF0]  }
0x11b: {  	v7 =	vld [tilespmem:s30+$0x10];
	v50 =	vsub.f32 v10, v11;
	v10 =	vmul.f32 v15, v18;
	v11 =	vmul.f32 v17, v61  }
0x11c: {  	v38 =	vmov v24;
	v24 =	vld [tilespmem:s30+$0x0]  }
0x11d: {  	v36 =	vmovc v31;
	v17 =	vmul.f32 v17, v18;
	v15 =	vmul.f32 v15, v61;
	v31 =	vld [tilespmem:$0x1FEC0];
	v10 =	vsub.f32 v10, v11  }
0x11e: {  	v18 =	vmul.f32 v9, v12;
	v11 =	vmul.f32 v12, v13;
	v12 =	vld [tilespmem:s31+$0x0]  }
0x11f: {  	v57 =	vadd.f32 v57, v59;
	v37 =	vmul.f32 v10, v0;
	v43 =	vmul.f32 v10, v28;
	v10 =	vld [tilespmem:$0x1FEF0]  }
0x120: {  	v41 =	vmovc v27;
	v59 =	vsub.f32 v1, v2;
	v9 =	vmul.f32 v9, v14;
	v13 =	vmul.f32 v13, v14;
	v14 =	vld [tilespmem:s6+$0x0]  }
0x121: {  	v27 =	vld [tilespmem:s31+$0xFFFFFF80];
	v39 =	vmovc v25;
	v25 =	vmul.f32 v19, v20;
	v2 =	vmul.f32 v21, v6;
	v15 =	vadd.f32 v15, v17  }
0x122: {  	v34 =	vld [tilespmem:$0x1FF80];
	v32 =	vsub.f32 v9, v11;
	v9 =	vmul.f32 v22, v5;
	v11 =	vmul.f32 v3, v7  }
0x123: {  	v61 =	vadd.f32 v30, v4;
	v4 =	vld [tilespmem:s15+$0xFFFFFF80];
	v3 =	vmul.f32 v3, v5;
	v35 =	vmul.f32 v15, v31  }
0x124: {  	v47 =	vmul.f32 v15, v10;
	v15 =	vmul.f32 v19, v6;
	v6 =	vld [tilespmem:$0x1FF60]  }
0x125: {  	v29 =	vadd.f32 v18, v13;
	v30 =	vmovc v0;
	v26 =	vmul.f32 v23, v24;
	v0 =	vld [tilespmem:$0x1FF90];
	v18 =	vmul.f32 v12, v14  }
0x126: {  	v5 =	vmul.f32 v22, v7;
	v7 =	vsub.f32 v9, v11;
	v9 =	vld [tilespmem:s6+$0xFFFFFF80];
	v14 =	vmul.f32 v23, v14  }
0x127: {  	v12 =	vmul.f32 v12, v24;
	v11 =	vadd.f32 v26, v18;
	v19 =	vmul.f32 v20, v21;
	v20 =	vld [tilespmem:s30+$0xFFFFFF80];
	_ =	sdelay $0x1  }
0x128: {  	v51 =	vadd.f32 v54, v51;
	v12 =	vsub.f32 v14, v12;
	v14 =	vmul.f32 v11, v6  }
0x129: {  	v54 =	vsub.f32 v63, v16;
	v16 =	vld [tilespmem:$0x1FFB0];
	v3 =	vadd.f32 v5, v3  }
0x12a: {  	v23 =	vmul.f32 v12, v0;
	v24 =	vmul.f32 v27, v9;
	v14 =	vadd.f32 $0.0e+00, v14  }
0x12b: {  	v17 =	vsub.f32 v15, v19;
	v19 =	vmul.f32 v3, v34;
	v26 =	vmul.f32 v4, v20  }
0x12c: {  	v4 =	vmul.f32 v4, v9;
	v9 =	vmul.f32 v20, v27;
	v14 =	vadd.f32 v14, v23;
	_ =	sdelay $0x1  }
0x12d: {  	v5 =	vmul.f32 v7, v16;
	v4 =	vsub.f32 v4, v9;
	v9 =	vadd.f32 v19, v14  }
0x12e: {  	v63 =	vld [tilespmem:s15+$0xFFFFFF90]  }
0x12f: {  	v15 =	vadd.f32 v25, v2;
	v25 =	vld [tilespmem:$0x1FEE0];
	v5 =	vadd.f32 v9, v5  }
0x130: {  	v1 =	vld [tilespmem:$0x1FFD0]  }
0x131: {  	v8 =	vld [tilespmem:s30+$0xFFFFFF90];
	v5 =	vadd.f32 v35, v5  }
0x132: {  	v13 =	vld [tilespmem:$0x1FFE0];
	v23 =	vadd.f32 v26, v24  }
0x133: {  	v18 =	vld [tilespmem:s31+$0xFFFFFF90];
	v5 =	vadd.f32 v5, v37  }
0x134: {  	v11 =	vmul.f32 v11, v25;
	v9 =	vmul.f32 v23, v6;
	v6 =	vld [tilespmem:$0x1FC80]  }
0x135: {  	v21 =	vld [tilespmem:s6+$0xFFFFFF90];
	v5 =	vadd.f32 v62, v5  }
0x136: {  	v12 =	vmul.f32 v12, v42;
	v11 =	vadd.f32 $0.0e+00, v11  }
0x137: {  	v5 =	vadd.f32 v5, v60  }
0x138: {  	v22 =	vmul.f32 v63, v8;
	v3 =	vmul.f32 v3, v1;
	v11 =	vadd.f32 v11, v12  }
0x139: {  	v7 =	vmul.f32 v7, v13;
	v27 =	vmul.f32 v23, v25;
	v5 =	vadd.f32 v6, v5;
	v6 =	vld [tilespmem:$0x1FC90]  }
0x13a: {  	v2 =	vmul.f32 v8, v18;
	v18 =	vmul.f32 v18, v21;
	v3 =	vadd.f32 v3, v11  }
0x13b: {  	v26 =	vmul.f32 v4, v42;
	v12 =	vadd.f32 $0.0e+00, v27  }
0x13c: {  	v14 =	vadd.f32 v22, v18;
	v3 =	vadd.f32 v3, v7  }
0x13d: {  	v11 =	vadd.f32 v12, v26  }
0x13e: {  	v12 =	vmul.f32 v14, v1;
	v1 =	vadd.f32 v47, v3;
	v5 =	vadd.f32 v5, v6;
	v6 =	vld [tilespmem:$0x1FCA0];
	_ =	sdelay $0x1  }
0x13f: {  	v1 =	vadd.f32 v1, v43;
	_ =	sdelay $0x1  }
0x140: {  	v4 =	vmul.f32 v4, v0;
	v0 =	vadd.f32 v46, v1  }
0x141: {  	v5 =	vadd.f32 v6, v5;
	v6 =	vld [tilespmem:$0x1FCB0]  }
0x142: {  	v0 =	vadd.f32 v0, v58;
	_ =	sdelay $0x1  }
0x143: {  	v0 =	vadd.f32 v56, v0;
	_ =	sdelay $0x1  }
0x144: {  	v0 =	vadd.f32 v0, v6;
	v6 =	vld [tilespmem:$0x1FCC0];
	_ =	sdelay $0x4  }
0x145: {  	v5 =	vadd.f32 v5, v6;
	v6 =	vld [tilespmem:$0x1FCD0];
	_ =	sdelay $0x4  }
0x146: {  	v0 =	vadd.f32 v6, v0;
	v6 =	vld [tilespmem:$0x1FCE0];
	_ =	sdelay $0x4  }
0x147: {  	v5 =	vadd.f32 v6, v5;
	v6 =	vld [tilespmem:$0x1FCF0];
	_ =	sdelay $0x4  }
0x148: {  	v0 =	vadd.f32 v0, v6;
	v6 =	vld [tilespmem:$0x1FD00];
	_ =	sdelay $0x4  }
0x149: {  	v5 =	vadd.f32 v5, v6;
	v6 =	vld [tilespmem:$0x1FD10];
	_ =	sdelay $0x3  }
0x14a: {  	v63 =	vmul.f32 v63, v21  }
0x14b: {  	v0 =	vadd.f32 v6, v0;
	v6 =	vld [tilespmem:$0x1FD20]  }
0x14c: {  	v2 =	vsub.f32 v63, v2;
	_ =	sdelay $0x1  }
0x14d: {  	v7 =	vadd.f32 v12, v11;
	v11 =	vmul.f32 v2, v13  }
0x14e: {  	v9 =	vadd.f32 $0.0e+00, v9  }
0x14f: {  	v3 =	vadd.f32 v7, v11;
	v7 =	vmul.f32 v15, v10;
	v5 =	vadd.f32 v6, v5;
	v6 =	vld [tilespmem:$0x1FD30]  }
0x150: {  	v4 =	vadd.f32 v9, v4;
	v9 =	vmul.f32 v14, v34  }
0x151: {  	v3 =	vadd.f32 v7, v3;
	v7 =	vmul.f32 v17, v28  }
0x152: {  	v2 =	vmul.f32 v2, v16;
	v4 =	vadd.f32 v9, v4  }
0x153: {  	v1 =	vadd.f32 v3, v7;
	v3 =	vmul.f32 v29, v40  }
0x154: {  	v2 =	vadd.f32 v4, v2;
	v4 =	vmul.f32 v15, v31;
	v0 =	vadd.f32 v0, v6;
	v6 =	vld [tilespmem:$0x1FD40]  }
0x155: {  	v8 =	vmov v30;
	v1 =	vadd.f32 v3, v1;
	v3 =	vmul.f32 v32, v38  }
0x156: {  	v2 =	vadd.f32 v4, v2;
	v4 =	vmul.f32 v17, v8  }
0x157: {  	v1 =	vadd.f32 v1, v3;
	v3 =	vmul.f32 v61, v44  }
0x158: {  	v14 =	vld [tilespmem:$0x1FFC0];
	v2 =	vadd.f32 v2, v4;
	v4 =	vmul.f32 v29, v36  }
0x159: {  	v1 =	vadd.f32 v3, v1;
	v3 =	vmul.f32 v59, v45;
	v5 =	vadd.f32 v5, v6;
	v6 =	vld [tilespmem:$0x1FD50]  }
0x15a: {  	v10 =	vld [tilespmem:$0x1FF20];
	v2 =	vadd.f32 v4, v2;
	v4 =	vmul.f32 v32, v33  }
0x15b: {  	v13 =	vld [tilespmem:$0x1FF50];
	v1 =	vadd.f32 v1, v3;
	v3 =	vmul.f32 v57, v55  }
0x15c: {  	v15 =	vld [tilespmem:$0x1FFA0];
	v2 =	vadd.f32 v2, v4;
	v4 =	vmul.f32 v61, v48  }
0x15d: {  	v7 =	vld [tilespmem:$0x1FD70];
	v1 =	vadd.f32 v3, v1;
	v3 =	vmul.f32 v54, v49  }
0x15e: {  	v2 =	vadd.f32 v4, v2;
	v4 =	vmul.f32 v59, v52;
	v0 =	vadd.f32 v6, v0;
	v6 =	vld [tilespmem:$0x1FD60]  }
0x15f: {  	v8 =	vld [tilespmem:$0x1FF10];
	v1 =	vadd.f32 v1, v3;
	v3 =	vmul.f32 v51, v10  }
0x160: {  	v2 =	vadd.f32 v2, v4;
	v4 =	vmul.f32 v57, v14;
	(xrf2) =	vadd.scan.msk.f32 $0xffff, v5;
	v5 =	vld [tilespmem:$0x1FD80]  }
0x161: {  	v12 =	vld [tilespmem:$0x1FF30];
	v1 =	vadd.f32 v3, v1;
	v3 =	vmul.f32 v50, v39  }
0x162: {  	v2 =	vadd.f32 v4, v2;
	v4 =	vmul.f32 v54, v13  }
0x163: {  	v9 =	vld [tilespmem:$0x1FF40];
	v1 =	vadd.f32 v1, v3;
	v3 =	vmul.f32 v53, v15;
	v6 =	vsub.f32 v6, v7  }
0x164: {  	v2 =	vadd.f32 v2, v4;
	v4 =	vmul.f32 v51, v8  }
0x165: {  	v11 =	vld [tilespmem:$0x1FF70];
	v1 =	vadd.f32 v3, v1;
	v0 =	vadd.f32 v0, v5;
	v3 =	vmul.f32 v6, v41  }
0x166: {  	v2 =	vadd.f32 v4, v2;
	v4 =	vmul.f32 v50, v12  }
0x167: {  	(xrf2) =	vadd.scan.msk.f32 $0xffff, v0;
	v0 =	vadd.f32 v1, v3  }
0x168: {  	v2 =	vadd.f32 v2, v4;
	v4 =	vmul.f32 v53, v9  }
0x169: {  	(xrf2) =	vadd.scan.msk.f32 $0xffff, v0  }
0x16a: {  	v1 =	vadd.f32 v4, v2;
	v2 =	vmul.f32 v6, v11;
	_ =	sdelay $0x1  }
0x16b: {  	v1 =	vadd.f32 v1, v2;
	_ =	sdelay $0x1  }
0x16c: {  	s17 =	sadd.s32 $0x3, s8;
	s8 =	sadd.s32 $0x2, s8;
	(xrf2) =	vadd.scan.msk.f32 $0xffff, v1  }
0x16d: {  	s14 =	sand.u32 $0xE, s8  }
0x16e: {  	v7 =	vlaneseq.u32;
	v6 =	vmov s14  }
0x16f: {  	vm0 =	veq.s32 v6, v7;
	v7 =	vld [tilespmem:$0x1FD90];
	v0, _, _ =	vpop (xrf2)  }
0x170: {  	v1, _, _ =	vpop (xrf2)  }
0x171: {  	v2, _, _ =	vpop (xrf2)  }
0x172: {  	v2 =	vbroadcast v2, $0xF  }
0x173: {  	s17 =	sand.u32 $0xF, s17  }
0x174: {  	s11 =	sadd.s32 $0x2, s11;
	p0 =	sne.s32 s17, $0xF;
	v2 =	vsel vm0, v2, v7;
	v7 =	vld [tilespmem:$0x1FDA0]  }
0x175: {  	v3 =	vld @!p0 [tilespmem:s11+$0x0]  }
0x176: {  	v5, _, _ =	vpop (xrf2)  }
0x177: {  	p1 =	slt.u32 s8, $0x7E;
	v4 =	vmov s17;
	v5 =	vbroadcast v5, $0xF  }
.Ltmp0:
0x178: {  	v6 =	vlaneseq.u32;
	v0 =	vbroadcast v0, $0xF;
	v1 =	vbroadcast v1, $0xF;
	(pc) =	sbr.rel @p1 .LBB2_3-.Ltmp0, $4  }
0x179: {  	v30 =	vmovc v42;
	v21 =	vmovc v45;
	v20 =	vmov v48;
	vm15 =	veq.s32 v4, v6;
	v5 =	vsel vm0, v5, v7  }
0x17a: {  	v24 =	vmovc v38;
	v22 =	vmovc v44;
	v1 =	vsel vm15, v1, v2;
	vm0 =	veq.s32 @!p0 v3, $0x0;
	v0 =	vsel vm15, v0, v5  }
0x17b: {  	s9 =	sadd.s32 $0x2, s9;
	v18 =	vmovc v49;
	v25 =	vmovc v39;
	v19 =	vmov v52;
	v23 =	vmov v55;
	v2 =	vsel @!p0 vm0, v0, v1  }
0x17c: {  	s15 =	sadd.s32 $0x100, s15;
	v27 =	vmovc v41;
	v31 =	vmovc v36;
	v28 =	vmov v33;
	v1 =	vpsel !p0, $0x0, v1;
	v0 =	vpsel !p0, $0x0, v0;
	[tilespmem:s9+$0x0] =	vst @!p0 v2  }
0x17d: {  	s28 =	sadd.s32 $0x1, s28  }
0x17e: {  	p0 =	sne.s32 s28, $0x4  }
.Ltmp1:
0x17f: {  	s6 =	sadd.s32 s10, s29;
	(pc) =	sbr.rel @p0 .LBB2_2-.Ltmp1, $4  }
0x180: {  	[hbm4b:s6+s12] =	stream.linear.scatter [tilespmem:s25], [sflag:$0x2], $0x80, $0x38;
	[tilespmem:$0x10400] =	vst v63  }
0x181: {  	_ =	swait.ge [sflag:s16], $0x80  }
0x182: {  	[sflag:s16] =	ssyncset.done $0x0  }
0x183: {  	[sflag:s16] =	ssyncadd.s32 $0xFFFFFF80  }
0x184: {  	s26 =	sadd.s32 $0x1, s26;
	s6 =	rddreg [dreg:$0xb]  }
0x185: {  	p0 =	sne.s32 s26, s6  }
.Ltmp2:
0x186: {  	_ = 	snop;
	(pc) =	sbr.rel @p0 .LBB2_1-.Ltmp2, $1  }
0x187: {  	_ =	sdelay $0x3  }
0x188: {  	_ =	sfence.sel $0x180000  }
0x189: {  	[bflag:$0x0] =	sbarrier.arrive $0xFFFF  }
0x18a: {  	_ =	strace $0x90000047  }
0x18b: {  	s0 =	stileid.u32;
	[bflag:$0x2] =	sbarrier.arrive $0xFFFF  }
0x18c: {  	p0 =	sne.s32 s0, $0x0;
	s0 =	rddreg [dreg:$0xa]  }
0x18d: {  	s0 =	sadd.s32 @!p0 $0x100000, s0  }
0x18e: {  	[sflag:s0] =	ssyncadd.tile.s32 @!p0 $0x1;
	_ =	shalt  }
.Lfunc_end2:
_tile_overlayer_lowered:
.L_overlay_start_2:
0x18f: {  	(tag) =	ssettag $0x2  }
0x190: {  	s0 =	rddreg [dreg:$0x0];
	s2 =	stileid.u32  }
0x191: {  	s1 =	rddreg [dreg:$0x1];
	p0 =	sne.s32 s2, $0x0  }
0x192: {  	s3 =	rddreg [dreg:$0x2];
	[bflag:$0x3] =	sbarrier.arrive $0xFFFF;
	s2 =	simm.s32 @!p0 $0x1C02  }
0x193: {  	[timem:s3], [sflag:s2] =	dma.local @!p0 [hbm:s0], s1  }
0x194: {  	s0 =	simm.s32 @!p0 $0x2  }
0x195: {  	_ =	swait.ge @!p0 [sflag:s0], s1  }
0x196: {  	s1 =	ssub.s32 @!p0 $0x0, s1;
	[sflag:s0] =	ssyncset.done @!p0 $0x0  }
0x197: {  	[sflag:s0] =	ssyncadd.s32 @!p0 s1  }
0x198: {  	[bflag:$0x3] =	sbarrier.arrive $0xFFFF  }
0x199: {  	_ =	shalt  }

</sc_bundles>
